<compile_context>
chip_gen: v7x
topology: tpu7x:2x2x1
jax: 0.10.2.dev20260603
libtpu: 0.0.44.dev20260713+nightly
codegen_flags: <defaults>
</compile_context>

<pallas_src>
import functools

import jax
import jax.numpy as jnp
from jax import lax
from jax.experimental import pallas as pl
from jax.experimental.pallas import tpu as pltpu
from jax.experimental.pallas import tpu_sc as plsc

DIM = 768
EO, EI = 8, 8
HIDDEN = 768
N = 2048
EPS = 1e-9
CAP_O = 320
CAP_I = 50
CAP_I_PAD = 64
ROWS_E = EI * CAP_I_PAD
ROWS = EO * ROWS_E
SENT = N
_PH = lax.Precision.HIGHEST


def _split3(v):
    h = v.astype(jnp.bfloat16)
    r1 = v - h.astype(jnp.float32)
    m = r1.astype(jnp.bfloat16)
    r2 = r1 - m.astype(jnp.float32)
    return h, m, r2.astype(jnp.bfloat16)


def _dot_parts(a, parts, dims, split_rhs=True):
    out = None
    for part in parts:
        term = lax.dot_general(
            a if split_rhs else part, part if split_rhs else a,
            dims, preferred_element_type=jnp.float32)
        out = term if out is None else out + term
    return out


def _dot_split(a, b, dims, split_rhs):
    parts = _split3(b) if split_rhs else _split3(a)
    return _dot_parts(a if split_rhs else b, parts, dims, split_rhs)


def _first_argmax(vals, lanes, num):
    m = jnp.max(vals, axis=-1, keepdims=True)
    idx = jnp.min(jnp.where(vals == m, lanes, num), axis=-1, keepdims=True)
    return m, idx


def _tri(n):
    r = lax.broadcasted_iota(jnp.int32, (n, n), 0)
    c = lax.broadcasted_iota(jnp.int32, (n, n), 1)
    return (r >= c).astype(jnp.bfloat16)


def _cumsum0(tri, mask):
    return jnp.dot(tri, mask.astype(jnp.bfloat16),
                   preferred_element_type=jnp.float32)


def _cumsum0_chunked(tri_ch, mask, ch):
    n, k = mask.shape
    off = jnp.zeros((1, k), jnp.float32)
    outs = []
    for c in range(n // ch):
        cs = _cumsum0(tri_ch, mask[c * ch:(c + 1) * ch]) + off
        outs.append(cs)
        off = cs[ch - 1:ch, :]
    return jnp.concatenate(outs, axis=0)


def _outer_body(x_ref, wgo_ref, wgi_ref, td_ref, sm_ref, losso_ref):
    x = x_ref[...]
    lane8 = lax.broadcasted_iota(jnp.int32, (N, EO), 1)

    logits = jnp.dot(x, wgo_ref[...], preferred_element_type=jnp.float32)
    mx = jnp.max(logits, axis=-1, keepdims=True)
    ex = jnp.exp(logits - mx)
    raw = ex / jnp.sum(ex, axis=-1, keepdims=True)

    g1, i1 = _first_argmax(raw, lane8, EO)
    mask1 = (lane8 == i1).astype(jnp.float32)
    raw_wo = raw * (1.0 - mask1)
    g2, i2 = _first_argmax(raw_wo, lane8, EO)
    mask2 = (lane8 == i2).astype(jnp.float32)
    denom = g1 + g2 + EPS
    g1n = g1 / denom
    g2n = g2 / denom

    loss_o = jnp.sum(jnp.mean(mask1, axis=0) * jnp.mean(raw, axis=0)) * 8.0

    tri256 = _tri(256)
    cs1 = _cumsum0_chunked(tri256, mask1, 256)
    pos1 = (cs1 - mask1) * mask1
    mask1c = mask1 * (pos1 < float(CAP_O)).astype(jnp.float32)
    count1 = jnp.sum(mask1c, axis=0, keepdims=True)
    m1flat = jnp.sum(mask1c, axis=-1, keepdims=True)
    p1f = jnp.sum(pos1, axis=-1, keepdims=True)
    g1f = g1n * m1flat

    cs2 = _cumsum0_chunked(tri256, mask2, 256)
    pos2 = ((cs2 - mask2) + count1) * mask2
    mask2c = mask2 * (pos2 < float(CAP_O)).astype(jnp.float32)
    m2flat = jnp.sum(mask2c, axis=-1, keepdims=True)
    p2f = jnp.sum(pos2, axis=-1, keepdims=True)
    g2f = g2n * m2flat

    wgi = wgi_ref[...]
    sm_parts = []
    for e in range(EO):
        li = jnp.dot(x, wgi[e], preferred_element_type=jnp.float32)
        mi = jnp.max(li, axis=-1, keepdims=True)
        ei_ = jnp.exp(li - mi)
        sm_parts.append(ei_ / jnp.sum(ei_, axis=-1, keepdims=True))
    sm_ref[...] = jnp.concatenate(sm_parts, axis=1)

    td_ref[...] = jnp.concatenate(
        [i1.astype(jnp.float32), p1f, m1flat, g1f,
         i2.astype(jnp.float32), p2f, m2flat, g2f], axis=1)
    losso_ref[...] = jnp.reshape(loss_o, (1, 1))


def _inner_body(td_ref, sm_ref, src_ref, tok1_ref, tok2_ref, ci_ref, cw_ref,
                lossi_ref):
    e = pl.program_id(0)
    td = td_ref[...]
    i1 = td[:, 0:1].astype(jnp.int32)
    p1 = td[:, 1:2].astype(jnp.int32)
    m1flat = td[:, 2:3]
    g1f = td[:, 3:4]
    i2 = td[:, 4:5].astype(jnp.int32)
    p2 = td[:, 5:6].astype(jnp.int32)
    m2flat = td[:, 6:7]
    g2f = td[:, 7:8]

    cap_io = lax.broadcasted_iota(jnp.int32, (N, CAP_O), 1)
    lane8i = lax.broadcasted_iota(jnp.int32, (CAP_O, EI), 1)
    rows_io = lax.broadcasted_iota(jnp.int32, (CAP_O, ROWS_E), 1)
    n_iota = lax.broadcasted_iota(jnp.int32, (1, N), 1).astype(jnp.float32)
    sel_r = lax.broadcasted_iota(jnp.int32, (EO * EI, EI), 0)
    sel_c = lax.broadcasted_iota(jnp.int32, (EO * EI, EI), 1)
    tri320 = _tri(CAP_O)
    smp = _split3(sm_ref[...])
    np3 = _split3(n_iota)
    g1fp = _split3(g1f)
    g2fp = _split3(g2f)

    sel1 = (i1 == e) & (m1flat > 0.0)
    oh1 = ((cap_io == p1) & sel1).astype(jnp.bfloat16)
    sel2 = (i2 == e) & (m2flat > 0.0)
    oh2 = ((cap_io == p2) & sel2).astype(jnp.bfloat16)
    oh = oh1 + oh2

    cnt = jnp.dot(jnp.ones((1, N), jnp.bfloat16), oh,
                  preferred_element_type=jnp.float32)
    src_o = (_dot_parts(oh, np3, (((1,), (0,)), ((), ())), False)
             + (1.0 - cnt) * float(SENT))

    sel_mat = (sel_r == sel_c + 8 * e).astype(jnp.float32)
    G_all = _dot_parts(oh, smp, (((0,), (0,)), ((), ())))
    G = jnp.dot(G_all, sel_mat, preferred_element_type=jnp.float32,
                precision=_PH)
    imp = (_dot_parts(oh1, g1fp, (((0,), (0,)), ((), ())))
           + _dot_parts(oh2, g2fp, (((0,), (0,)), ((), ()))))
    eq1 = (imp > 0.5).astype(jnp.float32)
    gt0 = (imp > 0.0).astype(jnp.float32)

    ig1, ii1 = _first_argmax(G, lane8i, EI)
    im1 = (lane8i == ii1).astype(jnp.float32) * eq1
    ig1 = ig1 * eq1
    G_wo = G * (1.0 - im1)
    ig2, ii2 = _first_argmax(G_wo, lane8i, EI)
    im2 = (lane8i == ii2).astype(jnp.float32) * gt0
    idenom = ig1 + ig2 + EPS
    ig1n = ig1 / idenom
    ig2n = ig2 / idenom

    loss_e = jnp.sum(jnp.mean(im1, axis=0) * jnp.mean(G * eq1, axis=0))

    csi1 = _cumsum0(tri320, im1)
    ipos1 = (csi1 - im1) * im1
    im1c = im1 * (ipos1 < float(CAP_I)).astype(jnp.float32)
    icount1 = jnp.sum(im1c, axis=0, keepdims=True)
    im1flat = jnp.sum(im1c, axis=-1, keepdims=True)
    q1 = jnp.sum(ipos1, axis=-1, keepdims=True).astype(jnp.int32)
    h1 = ig1n * im1flat

    csi2 = _cumsum0(tri320, im2)
    ipos2 = ((csi2 - im2) + icount1) * im2
    im2c = im2 * (ipos2 < float(CAP_I)).astype(jnp.float32)
    im2flat = jnp.sum(im2c, axis=-1, keepdims=True)
    q2 = jnp.sum(ipos2, axis=-1, keepdims=True).astype(jnp.int32)
    h2 = ig2n * im2flat

    r1 = ii1 * CAP_I_PAD + q1
    r2 = ii2 * CAP_I_PAD + q2
    ohi = (((rows_io == r1) & (im1flat > 0.0)).astype(jnp.bfloat16)
           + ((rows_io == r2) & (im2flat > 0.0)).astype(jnp.bfloat16))
    cnti = jnp.dot(jnp.ones((1, CAP_O), jnp.bfloat16), ohi,
                   preferred_element_type=jnp.float32)
    src_e = (_dot_split(src_o, ohi, (((1,), (0,)), ((), ())), False)
             + (1.0 - cnti) * float(SENT))
    src_ref[...] = jnp.reshape(src_e.astype(jnp.int32), (1, 1, ROWS_E))

    base = (e * ROWS_E).astype(jnp.float32)
    V = jnp.concatenate(
        [h1, h2, r1.astype(jnp.float32) + base,
         r2.astype(jnp.float32) + base], axis=1)
    d1 = _dot_split(oh1, V, (((1,), (0,)), ((), ())), True)
    d2 = _dot_split(oh2, V, (((1,), (0,)), ((), ())), True)

    @pl.when(e == 0)
    def _():
        tok1_ref[...] = jnp.zeros((N, 4), jnp.float32)
        tok2_ref[...] = jnp.zeros((N, 4), jnp.float32)
        lossi_ref[...] = jnp.zeros((1, 1), jnp.float32)

    tok1_ref[...] += d1
    tok2_ref[...] += d2
    lossi_ref[...] += jnp.reshape(loss_e, (1, 1))

    @pl.when(e == EO - 1)
    def _():
        tok1 = tok1_ref[...]
        tok2 = tok2_ref[...]
        cw = jnp.concatenate(
            [g1f * tok1[:, 0:1], g1f * tok1[:, 1:2],
             g2f * tok2[:, 0:1], g2f * tok2[:, 1:2]], axis=1)
        ci = jnp.concatenate(
            [tok1[:, 2:3], tok1[:, 3:4], tok2[:, 2:3], tok2[:, 3:4]],
            axis=1).astype(jnp.int32)
        ci_ref[...] = jnp.clip(jnp.where(cw != 0.0, ci, 0), 0, ROWS - 1)
        cw_ref[...] = cw


def _ffn_body(x_ref, w1_ref, w2_ref, y_ref):
    h = jnp.maximum(
        jnp.dot(x_ref[...], w1_ref[0], preferred_element_type=jnp.float32),
        0.0)
    y_ref[...] = jnp.dot(h, w2_ref[0],
                         preferred_element_type=jnp.float32
                         ).astype(jnp.bfloat16)


def _combine_body(ci_ref, cw_ref, y_ref, out_ref):
    ci = ci_ref[...]
    cw = cw_ref[...]
    iot = lax.broadcasted_iota(jnp.int32, (N // 8, ROWS), 1)
    w = jnp.where(iot == ci[:, 0:1], cw[:, 0:1], 0.0)
    for j in range(1, 4):
        w = w + jnp.where(iot == ci[:, j:j + 1], cw[:, j:j + 1], 0.0)
    out_ref[...] = jnp.dot(w.astype(jnp.bfloat16), y_ref[...],
                           preferred_element_type=jnp.float32)


def _sc_gather(table, idx):
    b = idx.shape[0]
    d = table.shape[1]
    nw = 32
    b_per_w = b // nw
    ch = 64
    nch = b_per_w // ch
    idx2d = idx.reshape(b // ch, ch)
    mesh = plsc.VectorSubcoreMesh(core_axis_name="c", subcore_axis_name="s")

    @functools.partial(
        pl.kernel, mesh=mesh,
        out_type=jax.ShapeDtypeStruct((b, d), jnp.float32),
        scratch_types=[
            pltpu.VMEM((nch, ch), jnp.int32),
            pltpu.VMEM((ch, d), jnp.float32),
            pltpu.VMEM((ch, d), jnp.float32),
            pltpu.SemaphoreType.DMA,
            pltpu.SemaphoreType.DMA,
            pltpu.SemaphoreType.DMA,
            pltpu.SemaphoreType.DMA,
        ])
    def k(table_hbm, idx_hbm, out_hbm, idx_v, rows0, rows1, g0, g1, s0, s1):
        wid = lax.axis_index("s") * 2 + lax.axis_index("c")
        rows = (rows0, rows1)
        gsem = (g0, g1)
        ssem = (s0, s1)
        pltpu.sync_copy(idx_hbm.at[pl.ds(wid * nch, nch)], idx_v)

        def gather(c):
            return pltpu.async_copy(
                table_hbm.at[idx_v.at[c]], rows[c % 2], gsem[c % 2])

        def store(c):
            return pltpu.async_copy(
                rows[c % 2],
                out_hbm.at[pl.ds(wid * b_per_w + c * ch, ch)],
                ssem[c % 2])

        gathers = [None] * nch
        stores = [None] * nch
        gathers[0] = gather(0)
        for c in range(nch):
            gathers[c].wait()
            if c + 1 < nch:
                if c >= 1:
                    stores[c - 1].wait()
                gathers[c + 1] = gather(c + 1)
            stores[c] = store(c)
        for c in range(max(0, nch - 2), nch):
            stores[c].wait()

    return k(table, idx2d)


_outer_call = pl.pallas_call(
    _outer_body,
    out_shape=(
        jax.ShapeDtypeStruct((N, 8), jnp.float32),
        jax.ShapeDtypeStruct((N, EO * EI), jnp.float32),
        jax.ShapeDtypeStruct((1, 1), jnp.float32),
    ))

_inner_call = pl.pallas_call(
    _inner_body,
    grid=(EO,),
    in_specs=[
        pl.BlockSpec((N, 8), lambda e: (0, 0)),
        pl.BlockSpec((N, EO * EI), lambda e: (0, 0)),
    ],
    out_specs=(
        pl.BlockSpec((1, 1, ROWS_E), lambda e: (e, 0, 0)),
        pl.BlockSpec((N, 4), lambda e: (0, 0)),
        pl.BlockSpec((N, 4), lambda e: (0, 0)),
        pl.BlockSpec((N, 4), lambda e: (0, 0)),
        pl.BlockSpec((N, 4), lambda e: (0, 0)),
        pl.BlockSpec((1, 1), lambda e: (0, 0)),
    ),
    out_shape=(
        jax.ShapeDtypeStruct((EO, 1, ROWS_E), jnp.int32),
        jax.ShapeDtypeStruct((N, 4), jnp.float32),
        jax.ShapeDtypeStruct((N, 4), jnp.float32),
        jax.ShapeDtypeStruct((N, 4), jnp.int32),
        jax.ShapeDtypeStruct((N, 4), jnp.float32),
        jax.ShapeDtypeStruct((1, 1), jnp.float32),
    ))

_ffn_call = pl.pallas_call(
    _ffn_body,
    grid=(EO * EI,),
    in_specs=[
        pl.BlockSpec((CAP_I_PAD, DIM), lambda i: (i, 0)),
        pl.BlockSpec((1, DIM, HIDDEN), lambda i: (i, 0, 0)),
        pl.BlockSpec((1, HIDDEN, DIM), lambda i: (i, 0, 0)),
    ],
    out_specs=pl.BlockSpec((CAP_I_PAD, DIM), lambda i: (i, 0)),
    out_shape=jax.ShapeDtypeStruct((ROWS, DIM), jnp.bfloat16))

_combine_call = pl.pallas_call(
    _combine_body,
    grid=(8,),
    in_specs=[
        pl.BlockSpec((N // 8, 4), lambda i: (i, 0)),
        pl.BlockSpec((N // 8, 4), lambda i: (i, 0)),
        pl.BlockSpec((ROWS, DIM), lambda i: (0, 0)),
    ],
    out_specs=pl.BlockSpec((N // 8, DIM), lambda i: (i, 0)),
    out_shape=jax.ShapeDtypeStruct((N, DIM), jnp.float32))


def kernel(inputs, wg_outer, wg_inner, w1, w2):
    x2d = inputs.reshape(N, DIM)
    td, sm_all, loss_o = _outer_call(x2d, wg_outer, wg_inner)
    src, _t1, _t2, ci, cw, loss_i = _inner_call(td, sm_all)
    loss = (loss_o + loss_i) * 0.01

    xpad = jnp.concatenate([x2d, jnp.zeros((8, DIM), jnp.float32)], axis=0)
    xg = _sc_gather(xpad, src.reshape(ROWS))

    y = _ffn_call(xg, w1.reshape(EO * EI, DIM, HIDDEN),
                  w2.reshape(EO * EI, HIDDEN, DIM))

    out = _combine_call(ci, cw, y)
    return out.reshape(1, N, DIM), loss[0, 0]

# --- scband reference (transcript-rebuilt; emitter-appended) ---
"""Pipeline reference for scband-heirarchical-mo-e-45011257262409 (READ-ONLY COPY).

The authoritative reference and input builder live on the scoring server;
editing this copy changes nothing except your own understanding.
"""

import jax, jax.numpy as jnp
import numpy as np

DIM = 768
EO, EI = 8, 8
HIDDEN = 768
B, N = 1, 2048
EPS = 1e-9
MIN_EXPERT_CAPACITY = 4
CAPACITY_FACTOR = 1.25
LOSS_COEF = 0.01


def top2_gating(x, w_gating, importance=None):
    # x: [..., b, group, d]; w_gating: [..., d, num_gates]
    group_size = x.shape[-2]
    num_gates = w_gating.shape[-1]
    raw_gates = jnp.einsum('...bnd,...de->...bne', x, w_gating)
    raw_gates = jax.nn.softmax(raw_gates, axis=-1)

    gate_1 = jnp.max(raw_gates, axis=-1)
    index_1 = jnp.argmax(raw_gates, axis=-1)
    mask_1 = jax.nn.one_hot(index_1, num_gates, dtype=jnp.float32)
    density_1_proxy = raw_gates

    if importance is not None:
        eq_one = (importance == 1.0).astype(jnp.float32)
        mask_1 = mask_1 * eq_one[..., None]
        gate_1 = gate_1 * eq_one
        density_1_proxy = density_1_proxy * eq_one[..., None]

    gates_without_top_1 = raw_gates * (1.0 - mask_1)
    gate_2 = jnp.max(gates_without_top_1, axis=-1)
    index_2 = jnp.argmax(gates_without_top_1, axis=-1)
    mask_2 = jax.nn.one_hot(index_2, num_gates, dtype=jnp.float32)

    if importance is not None:
        gt_zero = (importance > 0.0).astype(jnp.float32)
        mask_2 = mask_2 * gt_zero[..., None]

    denom = gate_1 + gate_2 + EPS
    gate_1 = gate_1 / denom
    gate_2 = gate_2 / denom

    density_1 = jnp.mean(mask_1, axis=-2)
    density_1_proxy_m = jnp.mean(density_1_proxy, axis=-2)
    loss = jnp.mean(density_1_proxy_m * density_1) * float(num_gates ** 2)

    # second policy == 'all' -> mask_2 kept as-is

    expert_capacity = min(group_size, int((group_size * CAPACITY_FACTOR) / num_gates))
    expert_capacity = max(expert_capacity, MIN_EXPERT_CAPACITY)
    expert_capacity_f = float(expert_capacity)

    # exclusive cumsum along group dim
    position_in_expert_1 = (jnp.cumsum(mask_1, axis=-2) - mask_1) * mask_1
    mask_1 = mask_1 * (position_in_expert_1 < expert_capacity_f).astype(jnp.float32)
    mask_1_count = jnp.sum(mask_1, axis=-2, keepdims=True)
    mask_1_flat = jnp.sum(mask_1, axis=-1)
    position_in_expert_1 = jnp.sum(position_in_expert_1, axis=-1)
    gate_1 = gate_1 * mask_1_flat

    position_in_expert_2 = (jnp.cumsum(mask_2, axis=-2) - mask_2) + mask_1_count
    position_in_expert_2 = position_in_expert_2 * mask_2
    mask_2 = mask_2 * (position_in_expert_2 < expert_capacity_f).astype(jnp.float32)
    mask_2_flat = jnp.sum(mask_2, axis=-1)
    position_in_expert_2 = jnp.sum(position_in_expert_2, axis=-1)
    gate_2 = gate_2 * mask_2_flat

    # safe_one_hot: out-of-range positions map to all-zero rows (jax one_hot semantics)
    combine_tensor = (
        gate_1[..., None, None]
        * mask_1_flat[..., None, None]
        * jax.nn.one_hot(index_1, num_gates, dtype=jnp.float32)[..., None]
        * jax.nn.one_hot(position_in_expert_1.astype(jnp.int32), expert_capacity, dtype=jnp.float32)[..., None, :]
        + gate_2[..., None, None]
        * mask_2_flat[..., None, None]
        * jax.nn.one_hot(index_2, num_gates, dtype=jnp.float32)[..., None]
        * jax.nn.one_hot(position_in_expert_2.astype(jnp.int32), expert_capacity, dtype=jnp.float32)[..., None, :]
    )
    dispatch_tensor = (combine_tensor != 0.0).astype(combine_tensor.dtype)
    return dispatch_tensor, combine_tensor, loss


def moe_forward(inputs, wg_outer, wg_inner, w1, w2):
    b, n, d = inputs.shape
    eo, ei = EO, EI
    dispatch_o, combine_o, loss_o = top2_gating(inputs, wg_outer)
    expert_inputs_outer = jnp.einsum('bnd,bnec->ebcd', inputs, dispatch_o)

    importance = jnp.sum(jnp.transpose(combine_o, (2, 0, 3, 1)), axis=-1)
    importance = 0.5 * ((importance > 0.5).astype(jnp.float32) + (importance > 0.0).astype(jnp.float32))

    dispatch_i, combine_i, loss_i = top2_gating(expert_inputs_outer, wg_inner, importance=importance)
    expert_inputs = jnp.einsum('ebnd,ebnfc->efbcd', expert_inputs_outer, dispatch_i)

    orig_shape = expert_inputs.shape
    x = expert_inputs.reshape(eo, ei, -1, d)
    hidden = jnp.einsum('...nd,...dh->...nh', x, w1)
    hidden = jax.nn.relu(hidden)
    out = jnp.einsum('...nh,...hd->...nd', hidden, w2)
    expert_outputs = out.reshape(orig_shape)

    expert_outputs_outer = jnp.einsum('efbcd,ebnfc->ebnd', expert_outputs, combine_i)
    output = jnp.einsum('ebcd,bnec->bnd', expert_outputs_outer, combine_o)
    return output, (loss_o + loss_i) * LOSS_COEF


def setup_inputs(seed: int = 0) -> dict:
    key = jax.random.key(seed)
    k1, k2, k3, k4, k5 = jax.random.split(key, 5)
    inputs = jax.random.normal(k1, (B, N, DIM), dtype=jnp.float32)
    wg_outer = jax.random.normal(k2, (DIM, EO), dtype=jnp.float32)
    wg_inner = jax.random.normal(k3, (EO, DIM, EI), dtype=jnp.float32)
    std = (2.0 / (DIM + HIDDEN)) ** 0.5
    w1 = jax.random.normal(k4, (EO, EI, DIM, HIDDEN), dtype=jnp.float32) * std
    w2 = jax.random.normal(k5, (EO, EI, HIDDEN, DIM), dtype=jnp.float32) * std
    return {'inputs': inputs, 'wg_outer': wg_outer, 'wg_inner': wg_inner, 'w1': w1, 'w2': w2}


def reference(inputs, wg_outer, wg_inner, w1, w2):
    return moe_forward(inputs, wg_outer, wg_inner, w1, w2)

if __name__ == "__main__":
    import jax
    _d = setup_inputs()
    print(jax.jit(kernel)(*tuple(_d.values())))

</pallas_src>

<mosaic_0001>
#map = affine_map<(d0, d1) -> (0, 0)>
module attributes {stable_mosaic.version = 14 : i64} {
  func.func @k(%arg0: i32, %arg1: i32, %arg2: memref<2056x768xf32, #tpu.memory_space<hbm>>, %arg3: memref<64x64xi32, #tpu.memory_space<hbm>>, %arg4: memref<4096x768xf32, #tpu.memory_space<hbm>>, %arg5: memref<2x64xi32, #tpu.memory_space<vmem>>, %arg6: memref<64x768xf32, #tpu.memory_space<vmem>>, %arg7: memref<64x768xf32, #tpu.memory_space<vmem>>, %arg8: memref<!tpu.dma_semaphore, #tpu.memory_space<semaphore_mem>>, %arg9: memref<!tpu.dma_semaphore, #tpu.memory_space<semaphore_mem>>, %arg10: memref<!tpu.dma_semaphore, #tpu.memory_space<semaphore_mem>>, %arg11: memref<!tpu.dma_semaphore, #tpu.memory_space<semaphore_mem>>) attributes {dimension_semantics = [#tpu.dimension_semantics<core_parallel>, #tpu.dimension_semantics<subcore_parallel>], iteration_bounds = array<i64: 2, 16>, scalar_prefetch = 0 : i64, scratch_operands = 7 : i64, tpu.core_type = #tpu.core_type<sc_vector_subcore>, window_params = [{transform_indices = #map}, {transform_indices = #map}, {transform_indices = #map}]} {
    %mul3A = arith.constant 2 : i32
    %mul3A_0 = arith.muli %arg1, %mul3A : i32
    %add3A = arith.addi %mul3A_0, %arg0 : i32
    %mul3A_1 = arith.constant 2 : i32
    %mul3A_2 = arith.muli %add3A, %mul3A_1 : i32
    "tpu.region"() ({
      %run_scoped3A = tpu.sem_alloc : memref<!tpu.dma_semaphore, #tpu.memory_space<semaphore_mem>>
      %dma_start3A_53 = arith.constant 0 : i32
      %dma_start3A_54 = tpu.memref_slice %arg3[%mul3A_2, %dma_start3A_53] : memref<64x64xi32, #tpu.memory_space<hbm>> -> memref<2x64xi32, #tpu.memory_space<hbm>>
      %dma_start3A_55 = arith.constant 0 : i32
      %dma_start3A_56 = tpu.memref_slice %arg3[%mul3A_2, %dma_start3A_55] : memref<64x64xi32, #tpu.memory_space<hbm>> -> memref<2x64xi32, #tpu.memory_space<hbm>>
      tpu.enqueue_dma source(%dma_start3A_56 : memref<2x64xi32, #tpu.memory_space<hbm>>) target(%arg5 : memref<2x64xi32, #tpu.memory_space<vmem>>) target_semaphore(%run_scoped3A : memref<!tpu.dma_semaphore, #tpu.memory_space<semaphore_mem>>)
      %dma_wait3A_57 = arith.constant 0 : i32
      %dma_wait3A_58 = tpu.memref_slice %arg3[%mul3A_2, %dma_wait3A_57] : memref<64x64xi32, #tpu.memory_space<hbm>> -> memref<2x64xi32, #tpu.memory_space<hbm>>
      %dma_wait3A_59 = arith.constant 0 : i32
      %dma_wait3A_60 = tpu.memref_slice %arg3[%mul3A_2, %dma_wait3A_59] : memref<64x64xi32, #tpu.memory_space<hbm>> -> memref<2x64xi32, #tpu.memory_space<hbm>>
      tpu.wait_dma2 semaphore(%run_scoped3A : memref<!tpu.dma_semaphore, #tpu.memory_space<semaphore_mem>>) src(%dma_wait3A_60 : memref<2x64xi32, #tpu.memory_space<hbm>>) dst(%arg5 : memref<2x64xi32, #tpu.memory_space<vmem>>)
      tpu.yield
    }) : () -> ()
    %dma_start3A = arith.constant 0 : i32
    %dma_start3A_3 = arith.constant 0 : i32
    %dma_start3A_4 = tpu.memref_slice %arg5[%dma_start3A, %dma_start3A_3] : memref<2x64xi32, #tpu.memory_space<vmem>> -> memref<1x64xi32, #tpu.memory_space<vmem>>
    %dma_start3A_5 = tpu.memref_squeeze %dma_start3A_4 : memref<1x64xi32, #tpu.memory_space<vmem>> -> memref<64xi32, #tpu.memory_space<vmem>>
    %dma_start3A_6 = arith.constant 0 : i32
    %dma_start3A_7 = arith.constant 0 : i32
    %dma_start3A_8 = tpu.memref_slice %arg2[%dma_start3A_6, %dma_start3A_7] : memref<2056x768xf32, #tpu.memory_space<hbm>> -> memref<2056x768xf32, #tpu.memory_space<hbm>>
    tpu.enqueue_indirect_dma source(%dma_start3A_8 : memref<2056x768xf32, #tpu.memory_space<hbm>>) target(%arg6 : memref<64x768xf32, #tpu.memory_space<vmem>>) offsets(%dma_start3A_5 : memref<64xi32, #tpu.memory_space<vmem>>) semaphore(%arg8 : memref<!tpu.dma_semaphore, #tpu.memory_space<semaphore_mem>>)
    %dma_wait3A = arith.constant 0 : i32
    %dma_wait3A_9 = arith.constant 0 : i32
    %dma_wait3A_10 = tpu.memref_slice %arg5[%dma_wait3A, %dma_wait3A_9] : memref<2x64xi32, #tpu.memory_space<vmem>> -> memref<1x64xi32, #tpu.memory_space<vmem>>
    %dma_wait3A_11 = tpu.memref_squeeze %dma_wait3A_10 : memref<1x64xi32, #tpu.memory_space<vmem>> -> memref<64xi32, #tpu.memory_space<vmem>>
    %dma_wait3A_12 = arith.constant 0 : i32
    %dma_wait3A_13 = arith.constant 0 : i32
    %dma_wait3A_14 = tpu.memref_slice %arg2[%dma_wait3A_12, %dma_wait3A_13] : memref<2056x768xf32, #tpu.memory_space<hbm>> -> memref<2056x768xf32, #tpu.memory_space<hbm>>
    tpu.wait_indirect_dma semaphore(%arg8 : memref<!tpu.dma_semaphore, #tpu.memory_space<semaphore_mem>>) src(%dma_wait3A_14 : memref<2056x768xf32, #tpu.memory_space<hbm>>) dst(%arg6 : memref<64x768xf32, #tpu.memory_space<vmem>>)
    %dma_start3A_15 = arith.constant 1 : i32
    %dma_start3A_16 = arith.constant 0 : i32
    %dma_start3A_17 = tpu.memref_slice %arg5[%dma_start3A_15, %dma_start3A_16] : memref<2x64xi32, #tpu.memory_space<vmem>> -> memref<1x64xi32, #tpu.memory_space<vmem>>
    %dma_start3A_18 = tpu.memref_squeeze %dma_start3A_17 : memref<1x64xi32, #tpu.memory_space<vmem>> -> memref<64xi32, #tpu.memory_space<vmem>>
    %dma_start3A_19 = arith.constant 0 : i32
    %dma_start3A_20 = arith.constant 0 : i32
    %dma_start3A_21 = tpu.memref_slice %arg2[%dma_start3A_19, %dma_start3A_20] : memref<2056x768xf32, #tpu.memory_space<hbm>> -> memref<2056x768xf32, #tpu.memory_space<hbm>>
    tpu.enqueue_indirect_dma source(%dma_start3A_21 : memref<2056x768xf32, #tpu.memory_space<hbm>>) target(%arg7 : memref<64x768xf32, #tpu.memory_space<vmem>>) offsets(%dma_start3A_18 : memref<64xi32, #tpu.memory_space<vmem>>) semaphore(%arg9 : memref<!tpu.dma_semaphore, #tpu.memory_space<semaphore_mem>>)
    %mul3A_22 = arith.constant 128 : i32
    %mul3A_23 = arith.muli %add3A, %mul3A_22 : i32
    %add3A_24 = arith.constant 0 : i32
    %add3A_25 = arith.addi %mul3A_23, %add3A_24 : i32
    %dma_start3A_26 = arith.constant 0 : i32
    %dma_start3A_27 = tpu.memref_slice %arg4[%add3A_25, %dma_start3A_26] : memref<4096x768xf32, #tpu.memory_space<hbm>> -> memref<64x768xf32, #tpu.memory_space<hbm>>
    %dma_start3A_28 = arith.constant 0 : i32
    %dma_start3A_29 = tpu.memref_slice %arg4[%add3A_25, %dma_start3A_28] : memref<4096x768xf32, #tpu.memory_space<hbm>> -> memref<64x768xf32, #tpu.memory_space<hbm>>
    tpu.enqueue_dma source(%arg6 : memref<64x768xf32, #tpu.memory_space<vmem>>) target(%dma_start3A_29 : memref<64x768xf32, #tpu.memory_space<hbm>>) target_semaphore(%arg10 : memref<!tpu.dma_semaphore, #tpu.memory_space<semaphore_mem>>)
    %dma_wait3A_30 = arith.constant 1 : i32
    %dma_wait3A_31 = arith.constant 0 : i32
    %dma_wait3A_32 = tpu.memref_slice %arg5[%dma_wait3A_30, %dma_wait3A_31] : memref<2x64xi32, #tpu.memory_space<vmem>> -> memref<1x64xi32, #tpu.memory_space<vmem>>
    %dma_wait3A_33 = tpu.memref_squeeze %dma_wait3A_32 : memref<1x64xi32, #tpu.memory_space<vmem>> -> memref<64xi32, #tpu.memory_space<vmem>>
    %dma_wait3A_34 = arith.constant 0 : i32
    %dma_wait3A_35 = arith.constant 0 : i32
    %dma_wait3A_36 = tpu.memref_slice %arg2[%dma_wait3A_34, %dma_wait3A_35] : memref<2056x768xf32, #tpu.memory_space<hbm>> -> memref<2056x768xf32, #tpu.memory_space<hbm>>
    tpu.wait_indirect_dma semaphore(%arg9 : memref<!tpu.dma_semaphore, #tpu.memory_space<semaphore_mem>>) src(%dma_wait3A_36 : memref<2056x768xf32, #tpu.memory_space<hbm>>) dst(%arg7 : memref<64x768xf32, #tpu.memory_space<vmem>>)
    %mul3A_37 = arith.constant 128 : i32
    %mul3A_38 = arith.muli %add3A, %mul3A_37 : i32
    %add3A_39 = arith.constant 64 : i32
    %add3A_40 = arith.addi %mul3A_38, %add3A_39 : i32
    %dma_start3A_41 = arith.constant 0 : i32
    %dma_start3A_42 = tpu.memref_slice %arg4[%add3A_40, %dma_start3A_41] : memref<4096x768xf32, #tpu.memory_space<hbm>> -> memref<64x768xf32, #tpu.memory_space<hbm>>
    %dma_start3A_43 = arith.constant 0 : i32
    %dma_start3A_44 = tpu.memref_slice %arg4[%add3A_40, %dma_start3A_43] : memref<4096x768xf32, #tpu.memory_space<hbm>> -> memref<64x768xf32, #tpu.memory_space<hbm>>
    tpu.enqueue_dma source(%arg7 : memref<64x768xf32, #tpu.memory_space<vmem>>) target(%dma_start3A_44 : memref<64x768xf32, #tpu.memory_space<hbm>>) target_semaphore(%arg11 : memref<!tpu.dma_semaphore, #tpu.memory_space<semaphore_mem>>)
    %dma_wait3A_45 = arith.constant 0 : i32
    %dma_wait3A_46 = tpu.memref_slice %arg4[%add3A_25, %dma_wait3A_45] : memref<4096x768xf32, #tpu.memory_space<hbm>> -> memref<64x768xf32, #tpu.memory_space<hbm>>
    %dma_wait3A_47 = arith.constant 0 : i32
    %dma_wait3A_48 = tpu.memref_slice %arg4[%add3A_25, %dma_wait3A_47] : memref<4096x768xf32, #tpu.memory_space<hbm>> -> memref<64x768xf32, #tpu.memory_space<hbm>>
    tpu.wait_dma2 semaphore(%arg10 : memref<!tpu.dma_semaphore, #tpu.memory_space<semaphore_mem>>) src(%arg6 : memref<64x768xf32, #tpu.memory_space<vmem>>) dst(%dma_wait3A_48 : memref<64x768xf32, #tpu.memory_space<hbm>>)
    %dma_wait3A_49 = arith.constant 0 : i32
    %dma_wait3A_50 = tpu.memref_slice %arg4[%add3A_40, %dma_wait3A_49] : memref<4096x768xf32, #tpu.memory_space<hbm>> -> memref<64x768xf32, #tpu.memory_space<hbm>>
    %dma_wait3A_51 = arith.constant 0 : i32
    %dma_wait3A_52 = tpu.memref_slice %arg4[%add3A_40, %dma_wait3A_51] : memref<4096x768xf32, #tpu.memory_space<hbm>> -> memref<64x768xf32, #tpu.memory_space<hbm>>
    tpu.wait_dma2 semaphore(%arg11 : memref<!tpu.dma_semaphore, #tpu.memory_space<semaphore_mem>>) src(%arg7 : memref<64x768xf32, #tpu.memory_space<vmem>>) dst(%dma_wait3A_52 : memref<64x768xf32, #tpu.memory_space<hbm>>)
    return
  }
}

module attributes {stable_mosaic.version = 14 : i64} {
  func.func @_outer_body(%arg0: memref<2048x768xf32, #tpu.memory_space<vmem>>, %arg1: memref<768x8xf32, #tpu.memory_space<vmem>>, %arg2: memref<8x768x8xf32, #tpu.memory_space<vmem>>, %arg3: memref<2048x8xf32, #tpu.memory_space<vmem>>, %arg4: memref<2048x64xf32, #tpu.memory_space<vmem>>, %arg5: memref<1x1xf32, #tpu.memory_space<vmem>>) attributes {dimension_semantics = [], scalar_prefetch = 0 : i64, scratch_operands = 0 : i64, tpu.core_type = #tpu.core_type<tc>} {
    %get3A = arith.constant 0 : index
    %get3A_0 = arith.constant 0 : index
    %get3A_1 = vector.load %arg0[%get3A, %get3A_0] : memref<2048x768xf32, #tpu.memory_space<vmem>>, vector<2048x768xf32>
    %iota3A = tpu.iota {dimensions = array<i32: 1>} : vector<2048x8xi32>
    %get3A_2 = arith.constant 0 : index
    %get3A_3 = arith.constant 0 : index
    %get3A_4 = vector.load %arg1[%get3A_2, %get3A_3] : memref<768x8xf32, #tpu.memory_space<vmem>>, vector<768x8xf32>
    %dot_general3A = arith.constant dense<0.000000e+00> : vector<2048x8xf32>
    %dot_general3A_5 = tpu.matmul %get3A_1, %get3A_4, %dot_general3A {dimension_numbers = #tpu.dot_dimension_numbers<[1], [0], [0], [1], [0, 0, 1, 1], [], []>, transpose_lhs_hint = false} : vector<2048x768xf32>, vector<768x8xf32>, vector<2048x8xf32> -> vector<2048x8xf32>
    %reduce_max3A = arith.constant dense<0xFF800000> : vector<2048xf32>
    %reduce_max3A_6 = vector.multi_reduction <maximumf>, %dot_general3A_5, %reduce_max3A [1] : vector<2048x8xf32> to vector<2048xf32>
    %broadcast_in_dim3A = vector.shape_cast %reduce_max3A_6 : vector<2048xf32> to vector<2048x1xf32>
    %sub3A = vector.broadcast %broadcast_in_dim3A : vector<2048x1xf32> to vector<2048x8xf32>
    %sub3A_7 = arith.subf %dot_general3A_5, %sub3A : vector<2048x8xf32>
    %exp3A = math.exp %sub3A_7 : vector<2048x8xf32>
    %reduce_sum3A = arith.constant dense<0.000000e+00> : vector<2048xf32>
    %reduce_sum3A_8 = vector.multi_reduction <add>, %exp3A, %reduce_sum3A [1] : vector<2048x8xf32> to vector<2048xf32>
    %broadcast_in_dim3A_9 = vector.shape_cast %reduce_sum3A_8 : vector<2048xf32> to vector<2048x1xf32>
    %div3A = vector.broadcast %broadcast_in_dim3A_9 : vector<2048x1xf32> to vector<2048x8xf32>
    %div3A_10 = arith.divf %exp3A, %div3A : vector<2048x8xf32>
    %reduce_max3A_11 = arith.constant dense<0xFF800000> : vector<2048xf32>
    %reduce_max3A_12 = vector.multi_reduction <maximumf>, %div3A_10, %reduce_max3A_11 [1] : vector<2048x8xf32> to vector<2048xf32>
    %broadcast_in_dim3A_13 = vector.shape_cast %reduce_max3A_12 : vector<2048xf32> to vector<2048x1xf32>
    %eq3A = vector.broadcast %broadcast_in_dim3A_13 : vector<2048x1xf32> to vector<2048x8xf32>
    %eq3A_14 = arith.cmpf oeq, %div3A_10, %eq3A : vector<2048x8xf32>
    %jit3A = arith.constant 8 : i32
    %broadcast_in_dim3A_15 = vector.broadcast %jit3A : i32 to vector<2048x8xi32>
    %select_n3A = arith.select %eq3A_14, %iota3A, %broadcast_in_dim3A_15 : vector<2048x8xi1>, vector<2048x8xi32>
    %reduce_min3A = arith.constant dense<2147483647> : vector<2048xi32>
    %reduce_min3A_16 = vector.multi_reduction <minsi>, %select_n3A, %reduce_min3A [1] : vector<2048x8xi32> to vector<2048xi32>
    %broadcast_in_dim3A_17 = vector.shape_cast %reduce_min3A_16 : vector<2048xi32> to vector<2048x1xi32>
    %eq3A_18 = vector.broadcast %broadcast_in_dim3A_17 : vector<2048x1xi32> to vector<2048x8xi32>
    %eq3A_19 = arith.cmpi eq, %iota3A, %eq3A_18 : vector<2048x8xi32>
    %convert_element_type3A = arith.extui %eq3A_19 : vector<2048x8xi1> to vector<2048x8xi32>
    %convert_element_type3A_20 = arith.sitofp %convert_element_type3A : vector<2048x8xi32> to vector<2048x8xf32>
    %sub3A_21 = arith.constant 1.000000e+00 : f32
    %sub3A_22 = vector.broadcast %sub3A_21 : f32 to vector<2048x8xf32>
    %sub3A_23 = arith.subf %sub3A_22, %convert_element_type3A_20 : vector<2048x8xf32>
    %mul3A = arith.mulf %div3A_10, %sub3A_23 : vector<2048x8xf32>
    %reduce_max3A_24 = arith.constant dense<0xFF800000> : vector<2048xf32>
    %reduce_max3A_25 = vector.multi_reduction <maximumf>, %mul3A, %reduce_max3A_24 [1] : vector<2048x8xf32> to vector<2048xf32>
    %broadcast_in_dim3A_26 = vector.shape_cast %reduce_max3A_25 : vector<2048xf32> to vector<2048x1xf32>
    %eq3A_27 = vector.broadcast %broadcast_in_dim3A_26 : vector<2048x1xf32> to vector<2048x8xf32>
    %eq3A_28 = arith.cmpf oeq, %mul3A, %eq3A_27 : vector<2048x8xf32>
    %jit3A_29 = arith.constant 8 : i32
    %broadcast_in_dim3A_30 = vector.broadcast %jit3A_29 : i32 to vector<2048x8xi32>
    %select_n3A_31 = arith.select %eq3A_28, %iota3A, %broadcast_in_dim3A_30 : vector<2048x8xi1>, vector<2048x8xi32>
    %reduce_min3A_32 = arith.constant dense<2147483647> : vector<2048xi32>
    %reduce_min3A_33 = vector.multi_reduction <minsi>, %select_n3A_31, %reduce_min3A_32 [1] : vector<2048x8xi32> to vector<2048xi32>
    %broadcast_in_dim3A_34 = vector.shape_cast %reduce_min3A_33 : vector<2048xi32> to vector<2048x1xi32>
    %eq3A_35 = vector.broadcast %broadcast_in_dim3A_34 : vector<2048x1xi32> to vector<2048x8xi32>
    %eq3A_36 = arith.cmpi eq, %iota3A, %eq3A_35 : vector<2048x8xi32>
    %convert_element_type3A_37 = arith.extui %eq3A_36 : vector<2048x8xi1> to vector<2048x8xi32>
    %convert_element_type3A_38 = arith.sitofp %convert_element_type3A_37 : vector<2048x8xi32> to vector<2048x8xf32>
    %add3A = arith.addf %broadcast_in_dim3A_13, %broadcast_in_dim3A_26 : vector<2048x1xf32>
    %add3A_39 = arith.constant 9.99999971E-10 : f32
    %add3A_40 = vector.broadcast %add3A_39 : f32 to vector<2048x1xf32>
    %add3A_41 = arith.addf %add3A, %add3A_40 : vector<2048x1xf32>
    %div3A_42 = arith.divf %broadcast_in_dim3A_13, %add3A_41 : vector<2048x1xf32>
    %div3A_43 = arith.divf %broadcast_in_dim3A_26, %add3A_41 : vector<2048x1xf32>
    %reduce_sum3A_44 = arith.constant dense<0.000000e+00> : vector<8xf32>
    %reduce_sum3A_45 = vector.multi_reduction <add>, %convert_element_type3A_20, %reduce_sum3A_44 [0] : vector<2048x8xf32> to vector<8xf32>
    %div3A_46 = arith.constant 2.048000e+03 : f32
    %div3A_47 = vector.broadcast %div3A_46 : f32 to vector<8xf32>
    %div3A_48 = arith.divf %reduce_sum3A_45, %div3A_47 : vector<8xf32>
    %reduce_sum3A_49 = arith.constant dense<0.000000e+00> : vector<8xf32>
    %reduce_sum3A_50 = vector.multi_reduction <add>, %div3A_10, %reduce_sum3A_49 [0] : vector<2048x8xf32> to vector<8xf32>
    %div3A_51 = arith.constant 2.048000e+03 : f32
    %div3A_52 = vector.broadcast %div3A_51 : f32 to vector<8xf32>
    %div3A_53 = arith.divf %reduce_sum3A_50, %div3A_52 : vector<8xf32>
    %mul3A_54 = arith.mulf %div3A_48, %div3A_53 : vector<8xf32>
    %reduce_sum3A_55 = vector.shape_cast %mul3A_54 : vector<8xf32> to vector<1x8xf32>
    %reduce_sum3A_56 = arith.constant dense<0.000000e+00> : vector<1xf32>
    %reduce_sum3A_57 = vector.multi_reduction <add>, %reduce_sum3A_55, %reduce_sum3A_56 [1] : vector<1x8xf32> to vector<1xf32>
    %reduce_sum3A_58 = vector.shape_cast %reduce_sum3A_57 : vector<1xf32> to vector<1x1xf32>
    %reduce_sum3A_59 = vector.extract %reduce_sum3A_58[0, 0] : f32 from vector<1x1xf32>
    %mul3A_60 = arith.constant 8.000000e+00 : f32
    %mul3A_61 = arith.mulf %reduce_sum3A_59, %mul3A_60 : f32
    %iota3A_62 = tpu.iota {dimensions = array<i32: 0>} : vector<256x256xi32>
    %iota3A_63 = tpu.iota {dimensions = array<i32: 1>} : vector<256x256xi32>
    %ge3A = arith.cmpi sge, %iota3A_62, %iota3A_63 : vector<256x256xi32>
    %convert_element_type3A_64 = arith.extui %ge3A : vector<256x256xi1> to vector<256x256xi32>
    %convert_element_type3A_65 = arith.sitofp %convert_element_type3A_64 : vector<256x256xi32> to vector<256x256xf32>
    %convert_element_type3A_66 = arith.truncf %convert_element_type3A_65 : vector<256x256xf32> to vector<256x256xbf16>
    %broadcast_in_dim3A_67 = arith.constant 0.000000e+00 : f32
    %broadcast_in_dim3A_68 = vector.broadcast %broadcast_in_dim3A_67 : f32 to vector<1x8xf32>
    %slice3A = vector.extract_strided_slice %convert_element_type3A_20 {offsets = [0, 0], sizes = [256, 8], strides = [1, 1]} : vector<2048x8xf32> to vector<256x8xf32>
    %convert_element_type3A_69 = arith.truncf %slice3A : vector<256x8xf32> to vector<256x8xbf16>
    %dot_general3A_70 = arith.constant dense<0.000000e+00> : vector<256x8xf32>
    %dot_general3A_71 = tpu.matmul %convert_element_type3A_66, %convert_element_type3A_69, %dot_general3A_70 {dimension_numbers = #tpu.dot_dimension_numbers<[1], [0], [0], [1], [0, 0, 1, 1], [], []>, transpose_lhs_hint = false} : vector<256x256xbf16>, vector<256x8xbf16>, vector<256x8xf32> -> vector<256x8xf32>
    %add3A_72 = vector.broadcast %broadcast_in_dim3A_68 : vector<1x8xf32> to vector<256x8xf32>
    %add3A_73 = arith.addf %dot_general3A_71, %add3A_72 : vector<256x8xf32>
    %slice3A_74 = vector.extract_strided_slice %add3A_73 {offsets = [255, 0], sizes = [1, 8], strides = [1, 1]} : vector<256x8xf32> to vector<1x8xf32>
    %slice3A_75 = vector.extract_strided_slice %convert_element_type3A_20 {offsets = [256, 0], sizes = [256, 8], strides = [1, 1]} : vector<2048x8xf32> to vector<256x8xf32>
    %convert_element_type3A_76 = arith.truncf %slice3A_75 : vector<256x8xf32> to vector<256x8xbf16>
    %dot_general3A_77 = arith.constant dense<0.000000e+00> : vector<256x8xf32>
    %dot_general3A_78 = tpu.matmul %convert_element_type3A_66, %convert_element_type3A_76, %dot_general3A_77 {dimension_numbers = #tpu.dot_dimension_numbers<[1], [0], [0], [1], [0, 0, 1, 1], [], []>, transpose_lhs_hint = false} : vector<256x256xbf16>, vector<256x8xbf16>, vector<256x8xf32> -> vector<256x8xf32>
    %add3A_79 = vector.broadcast %slice3A_74 : vector<1x8xf32> to vector<256x8xf32>
    %add3A_80 = arith.addf %dot_general3A_78, %add3A_79 : vector<256x8xf32>
    %slice3A_81 = vector.extract_strided_slice %add3A_80 {offsets = [255, 0], sizes = [1, 8], strides = [1, 1]} : vector<256x8xf32> to vector<1x8xf32>
    %slice3A_82 = vector.extract_strided_slice %convert_element_type3A_20 {offsets = [512, 0], sizes = [256, 8], strides = [1, 1]} : vector<2048x8xf32> to vector<256x8xf32>
    %convert_element_type3A_83 = arith.truncf %slice3A_82 : vector<256x8xf32> to vector<256x8xbf16>
    %dot_general3A_84 = arith.constant dense<0.000000e+00> : vector<256x8xf32>
    %dot_general3A_85 = tpu.matmul %convert_element_type3A_66, %convert_element_type3A_83, %dot_general3A_84 {dimension_numbers = #tpu.dot_dimension_numbers<[1], [0], [0], [1], [0, 0, 1, 1], [], []>, transpose_lhs_hint = false} : vector<256x256xbf16>, vector<256x8xbf16>, vector<256x8xf32> -> vector<256x8xf32>
    %add3A_86 = vector.broadcast %slice3A_81 : vector<1x8xf32> to vector<256x8xf32>
    %add3A_87 = arith.addf %dot_general3A_85, %add3A_86 : vector<256x8xf32>
    %slice3A_88 = vector.extract_strided_slice %add3A_87 {offsets = [255, 0], sizes = [1, 8], strides = [1, 1]} : vector<256x8xf32> to vector<1x8xf32>
    %slice3A_89 = vector.extract_strided_slice %convert_element_type3A_20 {offsets = [768, 0], sizes = [256, 8], strides = [1, 1]} : vector<2048x8xf32> to vector<256x8xf32>
    %convert_element_type3A_90 = arith.truncf %slice3A_89 : vector<256x8xf32> to vector<256x8xbf16>
    %dot_general3A_91 = arith.constant dense<0.000000e+00> : vector<256x8xf32>
    %dot_general3A_92 = tpu.matmul %convert_element_type3A_66, %convert_element_type3A_90, %dot_general3A_91 {dimension_numbers = #tpu.dot_dimension_numbers<[1], [0], [0], [1], [0, 0, 1, 1], [], []>, transpose_lhs_hint = false} : vector<256x256xbf16>, vector<256x8xbf16>, vector<256x8xf32> -> vector<256x8xf32>
    %add3A_93 = vector.broadcast %slice3A_88 : vector<1x8xf32> to vector<256x8xf32>
    %add3A_94 = arith.addf %dot_general3A_92, %add3A_93 : vector<256x8xf32>
    %slice3A_95 = vector.extract_strided_slice %add3A_94 {offsets = [255, 0], sizes = [1, 8], strides = [1, 1]} : vector<256x8xf32> to vector<1x8xf32>
    %slice3A_96 = vector.extract_strided_slice %convert_element_type3A_20 {offsets = [1024, 0], sizes = [256, 8], strides = [1, 1]} : vector<2048x8xf32> to vector<256x8xf32>
    %convert_element_type3A_97 = arith.truncf %slice3A_96 : vector<256x8xf32> to vector<256x8xbf16>
    %dot_general3A_98 = arith.constant dense<0.000000e+00> : vector<256x8xf32>
    %dot_general3A_99 = tpu.matmul %convert_element_type3A_66, %convert_element_type3A_97, %dot_general3A_98 {dimension_numbers = #tpu.dot_dimension_numbers<[1], [0], [0], [1], [0, 0, 1, 1], [], []>, transpose_lhs_hint = false} : vector<256x256xbf16>, vector<256x8xbf16>, vector<256x8xf32> -> vector<256x8xf32>
    %add3A_100 = vector.broadcast %slice3A_95 : vector<1x8xf32> to vector<256x8xf32>
    %add3A_101 = arith.addf %dot_general3A_99, %add3A_100 : vector<256x8xf32>
    %slice3A_102 = vector.extract_strided_slice %add3A_101 {offsets = [255, 0], sizes = [1, 8], strides = [1, 1]} : vector<256x8xf32> to vector<1x8xf32>
    %slice3A_103 = vector.extract_strided_slice %convert_element_type3A_20 {offsets = [1280, 0], sizes = [256, 8], strides = [1, 1]} : vector<2048x8xf32> to vector<256x8xf32>
    %convert_element_type3A_104 = arith.truncf %slice3A_103 : vector<256x8xf32> to vector<256x8xbf16>
    %dot_general3A_105 = arith.constant dense<0.000000e+00> : vector<256x8xf32>
    %dot_general3A_106 = tpu.matmul %convert_element_type3A_66, %convert_element_type3A_104, %dot_general3A_105 {dimension_numbers = #tpu.dot_dimension_numbers<[1], [0], [0], [1], [0, 0, 1, 1], [], []>, transpose_lhs_hint = false} : vector<256x256xbf16>, vector<256x8xbf16>, vector<256x8xf32> -> vector<256x8xf32>
    %add3A_107 = vector.broadcast %slice3A_102 : vector<1x8xf32> to vector<256x8xf32>
    %add3A_108 = arith.addf %dot_general3A_106, %add3A_107 : vector<256x8xf32>
    %slice3A_109 = vector.extract_strided_slice %add3A_108 {offsets = [255, 0], sizes = [1, 8], strides = [1, 1]} : vector<256x8xf32> to vector<1x8xf32>
    %slice3A_110 = vector.extract_strided_slice %convert_element_type3A_20 {offsets = [1536, 0], sizes = [256, 8], strides = [1, 1]} : vector<2048x8xf32> to vector<256x8xf32>
    %convert_element_type3A_111 = arith.truncf %slice3A_110 : vector<256x8xf32> to vector<256x8xbf16>
    %dot_general3A_112 = arith.constant dense<0.000000e+00> : vector<256x8xf32>
    %dot_general3A_113 = tpu.matmul %convert_element_type3A_66, %convert_element_type3A_111, %dot_general3A_112 {dimension_numbers = #tpu.dot_dimension_numbers<[1], [0], [0], [1], [0, 0, 1, 1], [], []>, transpose_lhs_hint = false} : vector<256x256xbf16>, vector<256x8xbf16>, vector<256x8xf32> -> vector<256x8xf32>
    %add3A_114 = vector.broadcast %slice3A_109 : vector<1x8xf32> to vector<256x8xf32>
    %add3A_115 = arith.addf %dot_general3A_113, %add3A_114 : vector<256x8xf32>
    %slice3A_116 = vector.extract_strided_slice %add3A_115 {offsets = [255, 0], sizes = [1, 8], strides = [1, 1]} : vector<256x8xf32> to vector<1x8xf32>
    %slice3A_117 = vector.extract_strided_slice %convert_element_type3A_20 {offsets = [1792, 0], sizes = [256, 8], strides = [1, 1]} : vector<2048x8xf32> to vector<256x8xf32>
    %convert_element_type3A_118 = arith.truncf %slice3A_117 : vector<256x8xf32> to vector<256x8xbf16>
    %dot_general3A_119 = arith.constant dense<0.000000e+00> : vector<256x8xf32>
    %dot_general3A_120 = tpu.matmul %convert_element_type3A_66, %convert_element_type3A_118, %dot_general3A_119 {dimension_numbers = #tpu.dot_dimension_numbers<[1], [0], [0], [1], [0, 0, 1, 1], [], []>, transpose_lhs_hint = false} : vector<256x256xbf16>, vector<256x8xbf16>, vector<256x8xf32> -> vector<256x8xf32>
    %add3A_121 = vector.broadcast %slice3A_116 : vector<1x8xf32> to vector<256x8xf32>
    %add3A_122 = arith.addf %dot_general3A_120, %add3A_121 : vector<256x8xf32>
    %concatenate3A = tpu.concatenate %add3A_73, %add3A_80, %add3A_87, %add3A_94, %add3A_101, %add3A_108, %add3A_115, %add3A_122 in 0 : vector<256x8xf32>, vector<256x8xf32>, vector<256x8xf32>, vector<256x8xf32>, vector<256x8xf32>, vector<256x8xf32>, vector<256x8xf32>, vector<256x8xf32> -> vector<2048x8xf32>
    %sub3A_123 = arith.subf %concatenate3A, %convert_element_type3A_20 : vector<2048x8xf32>
    %mul3A_124 = arith.mulf %sub3A_123, %convert_element_type3A_20 : vector<2048x8xf32>
    %lt3A = arith.constant 3.200000e+02 : f32
    %lt3A_125 = vector.broadcast %lt3A : f32 to vector<2048x8xf32>
    %lt3A_126 = arith.cmpf olt, %mul3A_124, %lt3A_125 : vector<2048x8xf32>
    %convert_element_type3A_127 = arith.extui %lt3A_126 : vector<2048x8xi1> to vector<2048x8xi32>
    %convert_element_type3A_128 = arith.sitofp %convert_element_type3A_127 : vector<2048x8xi32> to vector<2048x8xf32>
    %mul3A_129 = arith.mulf %convert_element_type3A_20, %convert_element_type3A_128 : vector<2048x8xf32>
    %reduce_sum3A_130 = arith.constant dense<0.000000e+00> : vector<8xf32>
    %reduce_sum3A_131 = vector.multi_reduction <add>, %mul3A_129, %reduce_sum3A_130 [0] : vector<2048x8xf32> to vector<8xf32>
    %broadcast_in_dim3A_132 = vector.shape_cast %reduce_sum3A_131 : vector<8xf32> to vector<1x8xf32>
    %reduce_sum3A_133 = arith.constant dense<0.000000e+00> : vector<2048xf32>
    %reduce_sum3A_134 = vector.multi_reduction <add>, %mul3A_129, %reduce_sum3A_133 [1] : vector<2048x8xf32> to vector<2048xf32>
    %broadcast_in_dim3A_135 = vector.shape_cast %reduce_sum3A_134 : vector<2048xf32> to vector<2048x1xf32>
    %reduce_sum3A_136 = arith.constant dense<0.000000e+00> : vector<2048xf32>
    %reduce_sum3A_137 = vector.multi_reduction <add>, %mul3A_124, %reduce_sum3A_136 [1] : vector<2048x8xf32> to vector<2048xf32>
    %broadcast_in_dim3A_138 = vector.shape_cast %reduce_sum3A_137 : vector<2048xf32> to vector<2048x1xf32>
    %mul3A_139 = arith.mulf %div3A_42, %broadcast_in_dim3A_135 : vector<2048x1xf32>
    %broadcast_in_dim3A_140 = arith.constant 0.000000e+00 : f32
    %broadcast_in_dim3A_141 = vector.broadcast %broadcast_in_dim3A_140 : f32 to vector<1x8xf32>
    %slice3A_142 = vector.extract_strided_slice %convert_element_type3A_38 {offsets = [0, 0], sizes = [256, 8], strides = [1, 1]} : vector<2048x8xf32> to vector<256x8xf32>
    %convert_element_type3A_143 = arith.truncf %slice3A_142 : vector<256x8xf32> to vector<256x8xbf16>
    %dot_general3A_144 = arith.constant dense<0.000000e+00> : vector<256x8xf32>
    %dot_general3A_145 = tpu.matmul %convert_element_type3A_66, %convert_element_type3A_143, %dot_general3A_144 {dimension_numbers = #tpu.dot_dimension_numbers<[1], [0], [0], [1], [0, 0, 1, 1], [], []>, transpose_lhs_hint = false} : vector<256x256xbf16>, vector<256x8xbf16>, vector<256x8xf32> -> vector<256x8xf32>
    %add3A_146 = vector.broadcast %broadcast_in_dim3A_141 : vector<1x8xf32> to vector<256x8xf32>
    %add3A_147 = arith.addf %dot_general3A_145, %add3A_146 : vector<256x8xf32>
    %slice3A_148 = vector.extract_strided_slice %add3A_147 {offsets = [255, 0], sizes = [1, 8], strides = [1, 1]} : vector<256x8xf32> to vector<1x8xf32>
    %slice3A_149 = vector.extract_strided_slice %convert_element_type3A_38 {offsets = [256, 0], sizes = [256, 8], strides = [1, 1]} : vector<2048x8xf32> to vector<256x8xf32>
    %convert_element_type3A_150 = arith.truncf %slice3A_149 : vector<256x8xf32> to vector<256x8xbf16>
    %dot_general3A_151 = arith.constant dense<0.000000e+00> : vector<256x8xf32>
    %dot_general3A_152 = tpu.matmul %convert_element_type3A_66, %convert_element_type3A_150, %dot_general3A_151 {dimension_numbers = #tpu.dot_dimension_numbers<[1], [0], [0], [1], [0, 0, 1, 1], [], []>, transpose_lhs_hint = false} : vector<256x256xbf16>, vector<256x8xbf16>, vector<256x8xf32> -> vector<256x8xf32>
    %add3A_153 = vector.broadcast %slice3A_148 : vector<1x8xf32> to vector<256x8xf32>
    %add3A_154 = arith.addf %dot_general3A_152, %add3A_153 : vector<256x8xf32>
    %slice3A_155 = vector.extract_strided_slice %add3A_154 {offsets = [255, 0], sizes = [1, 8], strides = [1, 1]} : vector<256x8xf32> to vector<1x8xf32>
    %slice3A_156 = vector.extract_strided_slice %convert_element_type3A_38 {offsets = [512, 0], sizes = [256, 8], strides = [1, 1]} : vector<2048x8xf32> to vector<256x8xf32>
    %convert_element_type3A_157 = arith.truncf %slice3A_156 : vector<256x8xf32> to vector<256x8xbf16>
    %dot_general3A_158 = arith.constant dense<0.000000e+00> : vector<256x8xf32>
    %dot_general3A_159 = tpu.matmul %convert_element_type3A_66, %convert_element_type3A_157, %dot_general3A_158 {dimension_numbers = #tpu.dot_dimension_numbers<[1], [0], [0], [1], [0, 0, 1, 1], [], []>, transpose_lhs_hint = false} : vector<256x256xbf16>, vector<256x8xbf16>, vector<256x8xf32> -> vector<256x8xf32>
    %add3A_160 = vector.broadcast %slice3A_155 : vector<1x8xf32> to vector<256x8xf32>
    %add3A_161 = arith.addf %dot_general3A_159, %add3A_160 : vector<256x8xf32>
    %slice3A_162 = vector.extract_strided_slice %add3A_161 {offsets = [255, 0], sizes = [1, 8], strides = [1, 1]} : vector<256x8xf32> to vector<1x8xf32>
    %slice3A_163 = vector.extract_strided_slice %convert_element_type3A_38 {offsets = [768, 0], sizes = [256, 8], strides = [1, 1]} : vector<2048x8xf32> to vector<256x8xf32>
    %convert_element_type3A_164 = arith.truncf %slice3A_163 : vector<256x8xf32> to vector<256x8xbf16>
    %dot_general3A_165 = arith.constant dense<0.000000e+00> : vector<256x8xf32>
    %dot_general3A_166 = tpu.matmul %convert_element_type3A_66, %convert_element_type3A_164, %dot_general3A_165 {dimension_numbers = #tpu.dot_dimension_numbers<[1], [0], [0], [1], [0, 0, 1, 1], [], []>, transpose_lhs_hint = false} : vector<256x256xbf16>, vector<256x8xbf16>, vector<256x8xf32> -> vector<256x8xf32>
    %add3A_167 = vector.broadcast %slice3A_162 : vector<1x8xf32> to vector<256x8xf32>
    %add3A_168 = arith.addf %dot_general3A_166, %add3A_167 : vector<256x8xf32>
    %slice3A_169 = vector.extract_strided_slice %add3A_168 {offsets = [255, 0], sizes = [1, 8], strides = [1, 1]} : vector<256x8xf32> to vector<1x8xf32>
    %slice3A_170 = vector.extract_strided_slice %convert_element_type3A_38 {offsets = [1024, 0], sizes = [256, 8], strides = [1, 1]} : vector<2048x8xf32> to vector<256x8xf32>
    %convert_element_type3A_171 = arith.truncf %slice3A_170 : vector<256x8xf32> to vector<256x8xbf16>
    %dot_general3A_172 = arith.constant dense<0.000000e+00> : vector<256x8xf32>
    %dot_general3A_173 = tpu.matmul %convert_element_type3A_66, %convert_element_type3A_171, %dot_general3A_172 {dimension_numbers = #tpu.dot_dimension_numbers<[1], [0], [0], [1], [0, 0, 1, 1], [], []>, transpose_lhs_hint = false} : vector<256x256xbf16>, vector<256x8xbf16>, vector<256x8xf32> -> vector<256x8xf32>
    %add3A_174 = vector.broadcast %slice3A_169 : vector<1x8xf32> to vector<256x8xf32>
    %add3A_175 = arith.addf %dot_general3A_173, %add3A_174 : vector<256x8xf32>
    %slice3A_176 = vector.extract_strided_slice %add3A_175 {offsets = [255, 0], sizes = [1, 8], strides = [1, 1]} : vector<256x8xf32> to vector<1x8xf32>
    %slice3A_177 = vector.extract_strided_slice %convert_element_type3A_38 {offsets = [1280, 0], sizes = [256, 8], strides = [1, 1]} : vector<2048x8xf32> to vector<256x8xf32>
    %convert_element_type3A_178 = arith.truncf %slice3A_177 : vector<256x8xf32> to vector<256x8xbf16>
    %dot_general3A_179 = arith.constant dense<0.000000e+00> : vector<256x8xf32>
    %dot_general3A_180 = tpu.matmul %convert_element_type3A_66, %convert_element_type3A_178, %dot_general3A_179 {dimension_numbers = #tpu.dot_dimension_numbers<[1], [0], [0], [1], [0, 0, 1, 1], [], []>, transpose_lhs_hint = false} : vector<256x256xbf16>, vector<256x8xbf16>, vector<256x8xf32> -> vector<256x8xf32>
    %add3A_181 = vector.broadcast %slice3A_176 : vector<1x8xf32> to vector<256x8xf32>
    %add3A_182 = arith.addf %dot_general3A_180, %add3A_181 : vector<256x8xf32>
    %slice3A_183 = vector.extract_strided_slice %add3A_182 {offsets = [255, 0], sizes = [1, 8], strides = [1, 1]} : vector<256x8xf32> to vector<1x8xf32>
    %slice3A_184 = vector.extract_strided_slice %convert_element_type3A_38 {offsets = [1536, 0], sizes = [256, 8], strides = [1, 1]} : vector<2048x8xf32> to vector<256x8xf32>
    %convert_element_type3A_185 = arith.truncf %slice3A_184 : vector<256x8xf32> to vector<256x8xbf16>
    %dot_general3A_186 = arith.constant dense<0.000000e+00> : vector<256x8xf32>
    %dot_general3A_187 = tpu.matmul %convert_element_type3A_66, %convert_element_type3A_185, %dot_general3A_186 {dimension_numbers = #tpu.dot_dimension_numbers<[1], [0], [0], [1], [0, 0, 1, 1], [], []>, transpose_lhs_hint = false} : vector<256x256xbf16>, vector<256x8xbf16>, vector<256x8xf32> -> vector<256x8xf32>
    %add3A_188 = vector.broadcast %slice3A_183 : vector<1x8xf32> to vector<256x8xf32>
    %add3A_189 = arith.addf %dot_general3A_187, %add3A_188 : vector<256x8xf32>
    %slice3A_190 = vector.extract_strided_slice %add3A_189 {offsets = [255, 0], sizes = [1, 8], strides = [1, 1]} : vector<256x8xf32> to vector<1x8xf32>
    %slice3A_191 = vector.extract_strided_slice %convert_element_type3A_38 {offsets = [1792, 0], sizes = [256, 8], strides = [1, 1]} : vector<2048x8xf32> to vector<256x8xf32>
    %convert_element_type3A_192 = arith.truncf %slice3A_191 : vector<256x8xf32> to vector<256x8xbf16>
    %dot_general3A_193 = arith.constant dense<0.000000e+00> : vector<256x8xf32>
    %dot_general3A_194 = tpu.matmul %convert_element_type3A_66, %convert_element_type3A_192, %dot_general3A_193 {dimension_numbers = #tpu.dot_dimension_numbers<[1], [0], [0], [1], [0, 0, 1, 1], [], []>, transpose_lhs_hint = false} : vector<256x256xbf16>, vector<256x8xbf16>, vector<256x8xf32> -> vector<256x8xf32>
    %add3A_195 = vector.broadcast %slice3A_190 : vector<1x8xf32> to vector<256x8xf32>
    %add3A_196 = arith.addf %dot_general3A_194, %add3A_195 : vector<256x8xf32>
    %concatenate3A_197 = tpu.concatenate %add3A_147, %add3A_154, %add3A_161, %add3A_168, %add3A_175, %add3A_182, %add3A_189, %add3A_196 in 0 : vector<256x8xf32>, vector<256x8xf32>, vector<256x8xf32>, vector<256x8xf32>, vector<256x8xf32>, vector<256x8xf32>, vector<256x8xf32>, vector<256x8xf32> -> vector<2048x8xf32>
    %sub3A_198 = arith.subf %concatenate3A_197, %convert_element_type3A_38 : vector<2048x8xf32>
    %add3A_199 = vector.broadcast %broadcast_in_dim3A_132 : vector<1x8xf32> to vector<2048x8xf32>
    %add3A_200 = arith.addf %sub3A_198, %add3A_199 : vector<2048x8xf32>
    %mul3A_201 = arith.mulf %add3A_200, %convert_element_type3A_38 : vector<2048x8xf32>
    %lt3A_202 = arith.constant 3.200000e+02 : f32
    %lt3A_203 = vector.broadcast %lt3A_202 : f32 to vector<2048x8xf32>
    %lt3A_204 = arith.cmpf olt, %mul3A_201, %lt3A_203 : vector<2048x8xf32>
    %convert_element_type3A_205 = arith.extui %lt3A_204 : vector<2048x8xi1> to vector<2048x8xi32>
    %convert_element_type3A_206 = arith.sitofp %convert_element_type3A_205 : vector<2048x8xi32> to vector<2048x8xf32>
    %mul3A_207 = arith.mulf %convert_element_type3A_38, %convert_element_type3A_206 : vector<2048x8xf32>
    %reduce_sum3A_208 = arith.constant dense<0.000000e+00> : vector<2048xf32>
    %reduce_sum3A_209 = vector.multi_reduction <add>, %mul3A_207, %reduce_sum3A_208 [1] : vector<2048x8xf32> to vector<2048xf32>
    %broadcast_in_dim3A_210 = vector.shape_cast %reduce_sum3A_209 : vector<2048xf32> to vector<2048x1xf32>
    %reduce_sum3A_211 = arith.constant dense<0.000000e+00> : vector<2048xf32>
    %reduce_sum3A_212 = vector.multi_reduction <add>, %mul3A_201, %reduce_sum3A_211 [1] : vector<2048x8xf32> to vector<2048xf32>
    %broadcast_in_dim3A_213 = vector.shape_cast %reduce_sum3A_212 : vector<2048xf32> to vector<2048x1xf32>
    %mul3A_214 = arith.mulf %div3A_43, %broadcast_in_dim3A_210 : vector<2048x1xf32>
    %get3A_215 = arith.constant 0 : index
    %get3A_216 = arith.constant 0 : index
    %get3A_217 = arith.constant 0 : index
    %get3A_218 = vector.load %arg2[%get3A_215, %get3A_216, %get3A_217] : memref<8x768x8xf32, #tpu.memory_space<vmem>>, vector<8x768x8xf32>
    %slice3A_219 = vector.extract_strided_slice %get3A_218 {offsets = [0, 0, 0], sizes = [1, 768, 8], strides = [1, 1, 1]} : vector<8x768x8xf32> to vector<1x768x8xf32>
    %squeeze3A = vector.shape_cast %slice3A_219 : vector<1x768x8xf32> to vector<768x8xf32>
    %dot_general3A_220 = arith.constant dense<0.000000e+00> : vector<2048x8xf32>
    %dot_general3A_221 = tpu.matmul %get3A_1, %squeeze3A, %dot_general3A_220 {dimension_numbers = #tpu.dot_dimension_numbers<[1], [0], [0], [1], [0, 0, 1, 1], [], []>, transpose_lhs_hint = false} : vector<2048x768xf32>, vector<768x8xf32>, vector<2048x8xf32> -> vector<2048x8xf32>
    %reduce_max3A_222 = arith.constant dense<0xFF800000> : vector<2048xf32>
    %reduce_max3A_223 = vector.multi_reduction <maximumf>, %dot_general3A_221, %reduce_max3A_222 [1] : vector<2048x8xf32> to vector<2048xf32>
    %broadcast_in_dim3A_224 = vector.shape_cast %reduce_max3A_223 : vector<2048xf32> to vector<2048x1xf32>
    %sub3A_225 = vector.broadcast %broadcast_in_dim3A_224 : vector<2048x1xf32> to vector<2048x8xf32>
    %sub3A_226 = arith.subf %dot_general3A_221, %sub3A_225 : vector<2048x8xf32>
    %exp3A_227 = math.exp %sub3A_226 : vector<2048x8xf32>
    %reduce_sum3A_228 = arith.constant dense<0.000000e+00> : vector<2048xf32>
    %reduce_sum3A_229 = vector.multi_reduction <add>, %exp3A_227, %reduce_sum3A_228 [1] : vector<2048x8xf32> to vector<2048xf32>
    %broadcast_in_dim3A_230 = vector.shape_cast %reduce_sum3A_229 : vector<2048xf32> to vector<2048x1xf32>
    %div3A_231 = vector.broadcast %broadcast_in_dim3A_230 : vector<2048x1xf32> to vector<2048x8xf32>
    %div3A_232 = arith.divf %exp3A_227, %div3A_231 : vector<2048x8xf32>
    %slice3A_233 = vector.extract_strided_slice %get3A_218 {offsets = [1, 0, 0], sizes = [1, 768, 8], strides = [1, 1, 1]} : vector<8x768x8xf32> to vector<1x768x8xf32>
    %squeeze3A_234 = vector.shape_cast %slice3A_233 : vector<1x768x8xf32> to vector<768x8xf32>
    %dot_general3A_235 = arith.constant dense<0.000000e+00> : vector<2048x8xf32>
    %dot_general3A_236 = tpu.matmul %get3A_1, %squeeze3A_234, %dot_general3A_235 {dimension_numbers = #tpu.dot_dimension_numbers<[1], [0], [0], [1], [0, 0, 1, 1], [], []>, transpose_lhs_hint = false} : vector<2048x768xf32>, vector<768x8xf32>, vector<2048x8xf32> -> vector<2048x8xf32>
    %reduce_max3A_237 = arith.constant dense<0xFF800000> : vector<2048xf32>
    %reduce_max3A_238 = vector.multi_reduction <maximumf>, %dot_general3A_236, %reduce_max3A_237 [1] : vector<2048x8xf32> to vector<2048xf32>
    %broadcast_in_dim3A_239 = vector.shape_cast %reduce_max3A_238 : vector<2048xf32> to vector<2048x1xf32>
    %sub3A_240 = vector.broadcast %broadcast_in_dim3A_239 : vector<2048x1xf32> to vector<2048x8xf32>
    %sub3A_241 = arith.subf %dot_general3A_236, %sub3A_240 : vector<2048x8xf32>
    %exp3A_242 = math.exp %sub3A_241 : vector<2048x8xf32>
    %reduce_sum3A_243 = arith.constant dense<0.000000e+00> : vector<2048xf32>
    %reduce_sum3A_244 = vector.multi_reduction <add>, %exp3A_242, %reduce_sum3A_243 [1] : vector<2048x8xf32> to vector<2048xf32>
    %broadcast_in_dim3A_245 = vector.shape_cast %reduce_sum3A_244 : vector<2048xf32> to vector<2048x1xf32>
    %div3A_246 = vector.broadcast %broadcast_in_dim3A_245 : vector<2048x1xf32> to vector<2048x8xf32>
    %div3A_247 = arith.divf %exp3A_242, %div3A_246 : vector<2048x8xf32>
    %slice3A_248 = vector.extract_strided_slice %get3A_218 {offsets = [2, 0, 0], sizes = [1, 768, 8], strides = [1, 1, 1]} : vector<8x768x8xf32> to vector<1x768x8xf32>
    %squeeze3A_249 = vector.shape_cast %slice3A_248 : vector<1x768x8xf32> to vector<768x8xf32>
    %dot_general3A_250 = arith.constant dense<0.000000e+00> : vector<2048x8xf32>
    %dot_general3A_251 = tpu.matmul %get3A_1, %squeeze3A_249, %dot_general3A_250 {dimension_numbers = #tpu.dot_dimension_numbers<[1], [0], [0], [1], [0, 0, 1, 1], [], []>, transpose_lhs_hint = false} : vector<2048x768xf32>, vector<768x8xf32>, vector<2048x8xf32> -> vector<2048x8xf32>
    %reduce_max3A_252 = arith.constant dense<0xFF800000> : vector<2048xf32>
    %reduce_max3A_253 = vector.multi_reduction <maximumf>, %dot_general3A_251, %reduce_max3A_252 [1] : vector<2048x8xf32> to vector<2048xf32>
    %broadcast_in_dim3A_254 = vector.shape_cast %reduce_max3A_253 : vector<2048xf32> to vector<2048x1xf32>
    %sub3A_255 = vector.broadcast %broadcast_in_dim3A_254 : vector<2048x1xf32> to vector<2048x8xf32>
    %sub3A_256 = arith.subf %dot_general3A_251, %sub3A_255 : vector<2048x8xf32>
    %exp3A_257 = math.exp %sub3A_256 : vector<2048x8xf32>
    %reduce_sum3A_258 = arith.constant dense<0.000000e+00> : vector<2048xf32>
    %reduce_sum3A_259 = vector.multi_reduction <add>, %exp3A_257, %reduce_sum3A_258 [1] : vector<2048x8xf32> to vector<2048xf32>
    %broadcast_in_dim3A_260 = vector.shape_cast %reduce_sum3A_259 : vector<2048xf32> to vector<2048x1xf32>
    %div3A_261 = vector.broadcast %broadcast_in_dim3A_260 : vector<2048x1xf32> to vector<2048x8xf32>
    %div3A_262 = arith.divf %exp3A_257, %div3A_261 : vector<2048x8xf32>
    %slice3A_263 = vector.extract_strided_slice %get3A_218 {offsets = [3, 0, 0], sizes = [1, 768, 8], strides = [1, 1, 1]} : vector<8x768x8xf32> to vector<1x768x8xf32>
    %squeeze3A_264 = vector.shape_cast %slice3A_263 : vector<1x768x8xf32> to vector<768x8xf32>
    %dot_general3A_265 = arith.constant dense<0.000000e+00> : vector<2048x8xf32>
    %dot_general3A_266 = tpu.matmul %get3A_1, %squeeze3A_264, %dot_general3A_265 {dimension_numbers = #tpu.dot_dimension_numbers<[1], [0], [0], [1], [0, 0, 1, 1], [], []>, transpose_lhs_hint = false} : vector<2048x768xf32>, vector<768x8xf32>, vector<2048x8xf32> -> vector<2048x8xf32>
    %reduce_max3A_267 = arith.constant dense<0xFF800000> : vector<2048xf32>
    %reduce_max3A_268 = vector.multi_reduction <maximumf>, %dot_general3A_266, %reduce_max3A_267 [1] : vector<2048x8xf32> to vector<2048xf32>
    %broadcast_in_dim3A_269 = vector.shape_cast %reduce_max3A_268 : vector<2048xf32> to vector<2048x1xf32>
    %sub3A_270 = vector.broadcast %broadcast_in_dim3A_269 : vector<2048x1xf32> to vector<2048x8xf32>
    %sub3A_271 = arith.subf %dot_general3A_266, %sub3A_270 : vector<2048x8xf32>
    %exp3A_272 = math.exp %sub3A_271 : vector<2048x8xf32>
    %reduce_sum3A_273 = arith.constant dense<0.000000e+00> : vector<2048xf32>
    %reduce_sum3A_274 = vector.multi_reduction <add>, %exp3A_272, %reduce_sum3A_273 [1] : vector<2048x8xf32> to vector<2048xf32>
    %broadcast_in_dim3A_275 = vector.shape_cast %reduce_sum3A_274 : vector<2048xf32> to vector<2048x1xf32>
    %div3A_276 = vector.broadcast %broadcast_in_dim3A_275 : vector<2048x1xf32> to vector<2048x8xf32>
    %div3A_277 = arith.divf %exp3A_272, %div3A_276 : vector<2048x8xf32>
    %slice3A_278 = vector.extract_strided_slice %get3A_218 {offsets = [4, 0, 0], sizes = [1, 768, 8], strides = [1, 1, 1]} : vector<8x768x8xf32> to vector<1x768x8xf32>
    %squeeze3A_279 = vector.shape_cast %slice3A_278 : vector<1x768x8xf32> to vector<768x8xf32>
    %dot_general3A_280 = arith.constant dense<0.000000e+00> : vector<2048x8xf32>
    %dot_general3A_281 = tpu.matmul %get3A_1, %squeeze3A_279, %dot_general3A_280 {dimension_numbers = #tpu.dot_dimension_numbers<[1], [0], [0], [1], [0, 0, 1, 1], [], []>, transpose_lhs_hint = false} : vector<2048x768xf32>, vector<768x8xf32>, vector<2048x8xf32> -> vector<2048x8xf32>
    %reduce_max3A_282 = arith.constant dense<0xFF800000> : vector<2048xf32>
    %reduce_max3A_283 = vector.multi_reduction <maximumf>, %dot_general3A_281, %reduce_max3A_282 [1] : vector<2048x8xf32> to vector<2048xf32>
    %broadcast_in_dim3A_284 = vector.shape_cast %reduce_max3A_283 : vector<2048xf32> to vector<2048x1xf32>
    %sub3A_285 = vector.broadcast %broadcast_in_dim3A_284 : vector<2048x1xf32> to vector<2048x8xf32>
    %sub3A_286 = arith.subf %dot_general3A_281, %sub3A_285 : vector<2048x8xf32>
    %exp3A_287 = math.exp %sub3A_286 : vector<2048x8xf32>
    %reduce_sum3A_288 = arith.constant dense<0.000000e+00> : vector<2048xf32>
    %reduce_sum3A_289 = vector.multi_reduction <add>, %exp3A_287, %reduce_sum3A_288 [1] : vector<2048x8xf32> to vector<2048xf32>
    %broadcast_in_dim3A_290 = vector.shape_cast %reduce_sum3A_289 : vector<2048xf32> to vector<2048x1xf32>
    %div3A_291 = vector.broadcast %broadcast_in_dim3A_290 : vector<2048x1xf32> to vector<2048x8xf32>
    %div3A_292 = arith.divf %exp3A_287, %div3A_291 : vector<2048x8xf32>
    %slice3A_293 = vector.extract_strided_slice %get3A_218 {offsets = [5, 0, 0], sizes = [1, 768, 8], strides = [1, 1, 1]} : vector<8x768x8xf32> to vector<1x768x8xf32>
    %squeeze3A_294 = vector.shape_cast %slice3A_293 : vector<1x768x8xf32> to vector<768x8xf32>
    %dot_general3A_295 = arith.constant dense<0.000000e+00> : vector<2048x8xf32>
    %dot_general3A_296 = tpu.matmul %get3A_1, %squeeze3A_294, %dot_general3A_295 {dimension_numbers = #tpu.dot_dimension_numbers<[1], [0], [0], [1], [0, 0, 1, 1], [], []>, transpose_lhs_hint = false} : vector<2048x768xf32>, vector<768x8xf32>, vector<2048x8xf32> -> vector<2048x8xf32>
    %reduce_max3A_297 = arith.constant dense<0xFF800000> : vector<2048xf32>
    %reduce_max3A_298 = vector.multi_reduction <maximumf>, %dot_general3A_296, %reduce_max3A_297 [1] : vector<2048x8xf32> to vector<2048xf32>
    %broadcast_in_dim3A_299 = vector.shape_cast %reduce_max3A_298 : vector<2048xf32> to vector<2048x1xf32>
    %sub3A_300 = vector.broadcast %broadcast_in_dim3A_299 : vector<2048x1xf32> to vector<2048x8xf32>
    %sub3A_301 = arith.subf %dot_general3A_296, %sub3A_300 : vector<2048x8xf32>
    %exp3A_302 = math.exp %sub3A_301 : vector<2048x8xf32>
    %reduce_sum3A_303 = arith.constant dense<0.000000e+00> : vector<2048xf32>
    %reduce_sum3A_304 = vector.multi_reduction <add>, %exp3A_302, %reduce_sum3A_303 [1] : vector<2048x8xf32> to vector<2048xf32>
    %broadcast_in_dim3A_305 = vector.shape_cast %reduce_sum3A_304 : vector<2048xf32> to vector<2048x1xf32>
    %div3A_306 = vector.broadcast %broadcast_in_dim3A_305 : vector<2048x1xf32> to vector<2048x8xf32>
    %div3A_307 = arith.divf %exp3A_302, %div3A_306 : vector<2048x8xf32>
    %slice3A_308 = vector.extract_strided_slice %get3A_218 {offsets = [6, 0, 0], sizes = [1, 768, 8], strides = [1, 1, 1]} : vector<8x768x8xf32> to vector<1x768x8xf32>
    %squeeze3A_309 = vector.shape_cast %slice3A_308 : vector<1x768x8xf32> to vector<768x8xf32>
    %dot_general3A_310 = arith.constant dense<0.000000e+00> : vector<2048x8xf32>
    %dot_general3A_311 = tpu.matmul %get3A_1, %squeeze3A_309, %dot_general3A_310 {dimension_numbers = #tpu.dot_dimension_numbers<[1], [0], [0], [1], [0, 0, 1, 1], [], []>, transpose_lhs_hint = false} : vector<2048x768xf32>, vector<768x8xf32>, vector<2048x8xf32> -> vector<2048x8xf32>
    %reduce_max3A_312 = arith.constant dense<0xFF800000> : vector<2048xf32>
    %reduce_max3A_313 = vector.multi_reduction <maximumf>, %dot_general3A_311, %reduce_max3A_312 [1] : vector<2048x8xf32> to vector<2048xf32>
    %broadcast_in_dim3A_314 = vector.shape_cast %reduce_max3A_313 : vector<2048xf32> to vector<2048x1xf32>
    %sub3A_315 = vector.broadcast %broadcast_in_dim3A_314 : vector<2048x1xf32> to vector<2048x8xf32>
    %sub3A_316 = arith.subf %dot_general3A_311, %sub3A_315 : vector<2048x8xf32>
    %exp3A_317 = math.exp %sub3A_316 : vector<2048x8xf32>
    %reduce_sum3A_318 = arith.constant dense<0.000000e+00> : vector<2048xf32>
    %reduce_sum3A_319 = vector.multi_reduction <add>, %exp3A_317, %reduce_sum3A_318 [1] : vector<2048x8xf32> to vector<2048xf32>
    %broadcast_in_dim3A_320 = vector.shape_cast %reduce_sum3A_319 : vector<2048xf32> to vector<2048x1xf32>
    %div3A_321 = vector.broadcast %broadcast_in_dim3A_320 : vector<2048x1xf32> to vector<2048x8xf32>
    %div3A_322 = arith.divf %exp3A_317, %div3A_321 : vector<2048x8xf32>
    %slice3A_323 = vector.extract_strided_slice %get3A_218 {offsets = [7, 0, 0], sizes = [1, 768, 8], strides = [1, 1, 1]} : vector<8x768x8xf32> to vector<1x768x8xf32>
    %squeeze3A_324 = vector.shape_cast %slice3A_323 : vector<1x768x8xf32> to vector<768x8xf32>
    %dot_general3A_325 = arith.constant dense<0.000000e+00> : vector<2048x8xf32>
    %dot_general3A_326 = tpu.matmul %get3A_1, %squeeze3A_324, %dot_general3A_325 {dimension_numbers = #tpu.dot_dimension_numbers<[1], [0], [0], [1], [0, 0, 1, 1], [], []>, transpose_lhs_hint = false} : vector<2048x768xf32>, vector<768x8xf32>, vector<2048x8xf32> -> vector<2048x8xf32>
    %reduce_max3A_327 = arith.constant dense<0xFF800000> : vector<2048xf32>
    %reduce_max3A_328 = vector.multi_reduction <maximumf>, %dot_general3A_326, %reduce_max3A_327 [1] : vector<2048x8xf32> to vector<2048xf32>
    %broadcast_in_dim3A_329 = vector.shape_cast %reduce_max3A_328 : vector<2048xf32> to vector<2048x1xf32>
    %sub3A_330 = vector.broadcast %broadcast_in_dim3A_329 : vector<2048x1xf32> to vector<2048x8xf32>
    %sub3A_331 = arith.subf %dot_general3A_326, %sub3A_330 : vector<2048x8xf32>
    %exp3A_332 = math.exp %sub3A_331 : vector<2048x8xf32>
    %reduce_sum3A_333 = arith.constant dense<0.000000e+00> : vector<2048xf32>
    %reduce_sum3A_334 = vector.multi_reduction <add>, %exp3A_332, %reduce_sum3A_333 [1] : vector<2048x8xf32> to vector<2048xf32>
    %broadcast_in_dim3A_335 = vector.shape_cast %reduce_sum3A_334 : vector<2048xf32> to vector<2048x1xf32>
    %div3A_336 = vector.broadcast %broadcast_in_dim3A_335 : vector<2048x1xf32> to vector<2048x8xf32>
    %div3A_337 = arith.divf %exp3A_332, %div3A_336 : vector<2048x8xf32>
    %concatenate3A_338 = tpu.concatenate %div3A_232, %div3A_247, %div3A_262, %div3A_277, %div3A_292, %div3A_307, %div3A_322, %div3A_337 in 1 : vector<2048x8xf32>, vector<2048x8xf32>, vector<2048x8xf32>, vector<2048x8xf32>, vector<2048x8xf32>, vector<2048x8xf32>, vector<2048x8xf32>, vector<2048x8xf32> -> vector<2048x64xf32>
    %swap3A = arith.constant 0 : index
    %swap3A_339 = arith.constant 0 : index
    %swap3A_340 = vector.load %arg4[%swap3A, %swap3A_339] : memref<2048x64xf32, #tpu.memory_space<vmem>>, vector<2048x64xf32>
    tpu.vector_store %arg4[%swap3A, %swap3A_339], %concatenate3A_338 {strides = array<i32>} : memref<2048x64xf32, #tpu.memory_space<vmem>>, vector<2048x64xf32>,
    %convert_element_type3A_341 = arith.sitofp %broadcast_in_dim3A_17 : vector<2048x1xi32> to vector<2048x1xf32>
    %convert_element_type3A_342 = arith.sitofp %broadcast_in_dim3A_34 : vector<2048x1xi32> to vector<2048x1xf32>
    %concatenate3A_343 = tpu.concatenate %convert_element_type3A_341, %broadcast_in_dim3A_138, %broadcast_in_dim3A_135, %mul3A_139, %convert_element_type3A_342, %broadcast_in_dim3A_213, %broadcast_in_dim3A_210, %mul3A_214 in 1 : vector<2048x1xf32>, vector<2048x1xf32>, vector<2048x1xf32>, vector<2048x1xf32>, vector<2048x1xf32>, vector<2048x1xf32>, vector<2048x1xf32>, vector<2048x1xf32> -> vector<2048x8xf32>
    %swap3A_344 = arith.constant 0 : index
    %swap3A_345 = arith.constant 0 : index
    %swap3A_346 = vector.load %arg3[%swap3A_344, %swap3A_345] : memref<2048x8xf32, #tpu.memory_space<vmem>>, vector<2048x8xf32>
    tpu.vector_store %arg3[%swap3A_344, %swap3A_345], %concatenate3A_343 {strides = array<i32>} : memref<2048x8xf32, #tpu.memory_space<vmem>>, vector<2048x8xf32>,
    %reshape3A = vector.broadcast %mul3A_61 : f32 to vector<1x1xf32>
    %swap3A_347 = arith.constant 0 : index
    %swap3A_348 = arith.constant 0 : index
    %swap3A_349 = vector.load %arg5[%swap3A_347, %swap3A_348] : memref<1x1xf32, #tpu.memory_space<vmem>>, vector<1x1xf32>
    tpu.vector_store %arg5[%swap3A_347, %swap3A_348], %reshape3A {strides = array<i32>} : memref<1x1xf32, #tpu.memory_space<vmem>>, vector<1x1xf32>,
    return
  }
}

module attributes {stable_mosaic.version = 14 : i64} {
  func.func @_inner_body(%arg0: i32, %arg1: memref<2048x8xf32, #tpu.memory_space<vmem>>, %arg2: memref<2048x64xf32, #tpu.memory_space<vmem>>, %arg3: memref<1x1x512xi32, #tpu.memory_space<vmem>>, %arg4: memref<2048x4xf32, #tpu.memory_space<vmem>>, %arg5: memref<2048x4xf32, #tpu.memory_space<vmem>>, %arg6: memref<2048x4xi32, #tpu.memory_space<vmem>>, %arg7: memref<2048x4xf32, #tpu.memory_space<vmem>>, %arg8: memref<1x1xf32, #tpu.memory_space<vmem>>) attributes {dimension_semantics = [#tpu.dimension_semantics<arbitrary>], iteration_bounds = array<i64: 8>, scalar_prefetch = 0 : i64, scratch_operands = 0 : i64, tpu.core_type = #tpu.core_type<tc>, window_params = [{pipeline_mode = #tpu.pipeline_mode<synchronous>, transform_indices = @transform_0, window_bounds = array<i64: 2048, 8>}, {pipeline_mode = #tpu.pipeline_mode<synchronous>, transform_indices = @transform_1, window_bounds = array<i64: 2048, 64>}, {transform_indices = @transform_2, window_bounds = array<i64: 1, 1, 512>}, {pipeline_mode = #tpu.pipeline_mode<synchronous>, transform_indices = @transform_3, window_bounds = array<i64: 2048, 4>}, {pipeline_mode = #tpu.pipeline_mode<synchronous>, transform_indices = @transform_4, window_bounds = array<i64: 2048, 4>}, {pipeline_mode = #tpu.pipeline_mode<synchronous>, transform_indices = @transform_5, window_bounds = array<i64: 2048, 4>}, {pipeline_mode = #tpu.pipeline_mode<synchronous>, transform_indices = @transform_6, window_bounds = array<i64: 2048, 4>}, {pipeline_mode = #tpu.pipeline_mode<synchronous>, transform_indices = @transform_7, window_bounds = array<i64: 1, 1>}]} {
    %get3A = arith.constant 0 : index
    %get3A_0 = arith.constant 0 : index
    %get3A_1 = vector.load %arg1[%get3A, %get3A_0] : memref<2048x8xf32, #tpu.memory_space<vmem>>, vector<2048x8xf32>
    %slice3A = vector.extract_strided_slice %get3A_1 {offsets = [0, 0], sizes = [2048, 1], strides = [1, 1]} : vector<2048x8xf32> to vector<2048x1xf32>
    %convert_element_type3A = arith.fptosi %slice3A : vector<2048x1xf32> to vector<2048x1xi32>
    %slice3A_2 = vector.extract_strided_slice %get3A_1 {offsets = [0, 1], sizes = [2048, 1], strides = [1, 1]} : vector<2048x8xf32> to vector<2048x1xf32>
    %convert_element_type3A_3 = arith.fptosi %slice3A_2 : vector<2048x1xf32> to vector<2048x1xi32>
    %slice3A_4 = vector.extract_strided_slice %get3A_1 {offsets = [0, 2], sizes = [2048, 1], strides = [1, 1]} : vector<2048x8xf32> to vector<2048x1xf32>
    %slice3A_5 = vector.extract_strided_slice %get3A_1 {offsets = [0, 3], sizes = [2048, 1], strides = [1, 1]} : vector<2048x8xf32> to vector<2048x1xf32>
    %slice3A_6 = vector.extract_strided_slice %get3A_1 {offsets = [0, 4], sizes = [2048, 1], strides = [1, 1]} : vector<2048x8xf32> to vector<2048x1xf32>
    %convert_element_type3A_7 = arith.fptosi %slice3A_6 : vector<2048x1xf32> to vector<2048x1xi32>
    %slice3A_8 = vector.extract_strided_slice %get3A_1 {offsets = [0, 5], sizes = [2048, 1], strides = [1, 1]} : vector<2048x8xf32> to vector<2048x1xf32>
    %convert_element_type3A_9 = arith.fptosi %slice3A_8 : vector<2048x1xf32> to vector<2048x1xi32>
    %slice3A_10 = vector.extract_strided_slice %get3A_1 {offsets = [0, 6], sizes = [2048, 1], strides = [1, 1]} : vector<2048x8xf32> to vector<2048x1xf32>
    %slice3A_11 = vector.extract_strided_slice %get3A_1 {offsets = [0, 7], sizes = [2048, 1], strides = [1, 1]} : vector<2048x8xf32> to vector<2048x1xf32>
    %iota3A = tpu.iota {dimensions = array<i32: 1>} : vector<2048x320xi32>
    %iota3A_12 = tpu.iota {dimensions = array<i32: 1>} : vector<320x8xi32>
    %iota3A_13 = tpu.iota {dimensions = array<i32: 1>} : vector<320x512xi32>
    %iota3A_14 = tpu.iota {dimensions = array<i32: 1>} : vector<1x2048xi32>
    %convert_element_type3A_15 = arith.sitofp %iota3A_14 : vector<1x2048xi32> to vector<1x2048xf32>
    %iota3A_16 = tpu.iota {dimensions = array<i32: 0>} : vector<64x8xi32>
    %iota3A_17 = tpu.iota {dimensions = array<i32: 1>} : vector<64x8xi32>
    %iota3A_18 = tpu.iota {dimensions = array<i32: 0>} : vector<320x320xi32>
    %iota3A_19 = tpu.iota {dimensions = array<i32: 1>} : vector<320x320xi32>
    %ge3A = arith.cmpi sge, %iota3A_18, %iota3A_19 : vector<320x320xi32>
    %convert_element_type3A_20 = arith.extui %ge3A : vector<320x320xi1> to vector<320x320xi32>
    %convert_element_type3A_21 = arith.sitofp %convert_element_type3A_20 : vector<320x320xi32> to vector<320x320xf32>
    %convert_element_type3A_22 = arith.truncf %convert_element_type3A_21 : vector<320x320xf32> to vector<320x320xbf16>
    %get3A_23 = arith.constant 0 : index
    %get3A_24 = arith.constant 0 : index
    %get3A_25 = vector.load %arg2[%get3A_23, %get3A_24] : memref<2048x64xf32, #tpu.memory_space<vmem>>, vector<2048x64xf32>
    %convert_element_type3A_26 = arith.truncf %get3A_25 : vector<2048x64xf32> to vector<2048x64xbf16>
    %convert_element_type3A_27 = arith.extf %convert_element_type3A_26 : vector<2048x64xbf16> to vector<2048x64xf32>
    %sub3A = arith.subf %get3A_25, %convert_element_type3A_27 : vector<2048x64xf32>
    %convert_element_type3A_28 = arith.truncf %sub3A : vector<2048x64xf32> to vector<2048x64xbf16>
    %convert_element_type3A_29 = arith.extf %convert_element_type3A_28 : vector<2048x64xbf16> to vector<2048x64xf32>
    %sub3A_30 = arith.subf %sub3A, %convert_element_type3A_29 : vector<2048x64xf32>
    %convert_element_type3A_31 = arith.truncf %sub3A_30 : vector<2048x64xf32> to vector<2048x64xbf16>
    %convert_element_type3A_32 = arith.truncf %convert_element_type3A_15 : vector<1x2048xf32> to vector<1x2048xbf16>
    %convert_element_type3A_33 = arith.extf %convert_element_type3A_32 : vector<1x2048xbf16> to vector<1x2048xf32>
    %sub3A_34 = arith.subf %convert_element_type3A_15, %convert_element_type3A_33 : vector<1x2048xf32>
    %convert_element_type3A_35 = arith.truncf %sub3A_34 : vector<1x2048xf32> to vector<1x2048xbf16>
    %convert_element_type3A_36 = arith.extf %convert_element_type3A_35 : vector<1x2048xbf16> to vector<1x2048xf32>
    %sub3A_37 = arith.subf %sub3A_34, %convert_element_type3A_36 : vector<1x2048xf32>
    %convert_element_type3A_38 = arith.truncf %sub3A_37 : vector<1x2048xf32> to vector<1x2048xbf16>
    %convert_element_type3A_39 = arith.truncf %slice3A_5 : vector<2048x1xf32> to vector<2048x1xbf16>
    %convert_element_type3A_40 = arith.extf %convert_element_type3A_39 : vector<2048x1xbf16> to vector<2048x1xf32>
    %sub3A_41 = arith.subf %slice3A_5, %convert_element_type3A_40 : vector<2048x1xf32>
    %convert_element_type3A_42 = arith.truncf %sub3A_41 : vector<2048x1xf32> to vector<2048x1xbf16>
    %convert_element_type3A_43 = arith.extf %convert_element_type3A_42 : vector<2048x1xbf16> to vector<2048x1xf32>
    %sub3A_44 = arith.subf %sub3A_41, %convert_element_type3A_43 : vector<2048x1xf32>
    %convert_element_type3A_45 = arith.truncf %sub3A_44 : vector<2048x1xf32> to vector<2048x1xbf16>
    %convert_element_type3A_46 = arith.truncf %slice3A_11 : vector<2048x1xf32> to vector<2048x1xbf16>
    %convert_element_type3A_47 = arith.extf %convert_element_type3A_46 : vector<2048x1xbf16> to vector<2048x1xf32>
    %sub3A_48 = arith.subf %slice3A_11, %convert_element_type3A_47 : vector<2048x1xf32>
    %convert_element_type3A_49 = arith.truncf %sub3A_48 : vector<2048x1xf32> to vector<2048x1xbf16>
    %convert_element_type3A_50 = arith.extf %convert_element_type3A_49 : vector<2048x1xbf16> to vector<2048x1xf32>
    %sub3A_51 = arith.subf %sub3A_48, %convert_element_type3A_50 : vector<2048x1xf32>
    %convert_element_type3A_52 = arith.truncf %sub3A_51 : vector<2048x1xf32> to vector<2048x1xbf16>
    %eq3A = vector.broadcast %arg0 : i32 to vector<2048x1xi32>
    %eq3A_53 = arith.cmpi eq, %convert_element_type3A, %eq3A : vector<2048x1xi32>
    %gt3A = arith.constant 0.000000e+00 : f32
    %gt3A_54 = vector.broadcast %gt3A : f32 to vector<2048x1xf32>
    %gt3A_55 = arith.cmpf ogt, %slice3A_4, %gt3A_54 : vector<2048x1xf32>
    %and3A = arith.andi %eq3A_53, %gt3A_55 : vector<2048x1xi1>
    %eq3A_56 = vector.broadcast %convert_element_type3A_3 : vector<2048x1xi32> to vector<2048x320xi32>
    %eq3A_57 = arith.cmpi eq, %iota3A, %eq3A_56 : vector<2048x320xi32>
    %and3A_58 = vector.broadcast %and3A : vector<2048x1xi1> to vector<2048x320xi1>
    %and3A_59 = arith.andi %eq3A_57, %and3A_58 : vector<2048x320xi1>
    %convert_element_type3A_60 = arith.extui %and3A_59 : vector<2048x320xi1> to vector<2048x320xi32>
    %convert_element_type3A_61 = arith.sitofp %convert_element_type3A_60 : vector<2048x320xi32> to vector<2048x320xf32>
    %convert_element_type3A_62 = arith.truncf %convert_element_type3A_61 : vector<2048x320xf32> to vector<2048x320xbf16>
    %eq3A_63 = vector.broadcast %arg0 : i32 to vector<2048x1xi32>
    %eq3A_64 = arith.cmpi eq, %convert_element_type3A_7, %eq3A_63 : vector<2048x1xi32>
    %gt3A_65 = arith.constant 0.000000e+00 : f32
    %gt3A_66 = vector.broadcast %gt3A_65 : f32 to vector<2048x1xf32>
    %gt3A_67 = arith.cmpf ogt, %slice3A_10, %gt3A_66 : vector<2048x1xf32>
    %and3A_68 = arith.andi %eq3A_64, %gt3A_67 : vector<2048x1xi1>
    %eq3A_69 = vector.broadcast %convert_element_type3A_9 : vector<2048x1xi32> to vector<2048x320xi32>
    %eq3A_70 = arith.cmpi eq, %iota3A, %eq3A_69 : vector<2048x320xi32>
    %and3A_71 = vector.broadcast %and3A_68 : vector<2048x1xi1> to vector<2048x320xi1>
    %and3A_72 = arith.andi %eq3A_70, %and3A_71 : vector<2048x320xi1>
    %convert_element_type3A_73 = arith.extui %and3A_72 : vector<2048x320xi1> to vector<2048x320xi32>
    %convert_element_type3A_74 = arith.sitofp %convert_element_type3A_73 : vector<2048x320xi32> to vector<2048x320xf32>
    %convert_element_type3A_75 = arith.truncf %convert_element_type3A_74 : vector<2048x320xf32> to vector<2048x320xbf16>
    %add3A = arith.addf %convert_element_type3A_62, %convert_element_type3A_75 : vector<2048x320xbf16>
    %broadcast_in_dim3A = arith.constant 1.000000e+00 : bf16
    %broadcast_in_dim3A_76 = vector.broadcast %broadcast_in_dim3A : bf16 to vector<1x2048xbf16>
    %dot_general3A = arith.constant dense<0.000000e+00> : vector<1x320xf32>
    %dot_general3A_77 = tpu.matmul %broadcast_in_dim3A_76, %add3A, %dot_general3A {dimension_numbers = #tpu.dot_dimension_numbers<[1], [0], [0], [1], [0, 0, 1, 1], [], []>, transpose_lhs_hint = false} : vector<1x2048xbf16>, vector<2048x320xbf16>, vector<1x320xf32> -> vector<1x320xf32>
    %dot_general3A_78 = arith.constant dense<0.000000e+00> : vector<1x320xf32>
    %dot_general3A_79 = tpu.matmul %convert_element_type3A_32, %add3A, %dot_general3A_78 {dimension_numbers = #tpu.dot_dimension_numbers<[1], [0], [0], [1], [0, 0, 1, 1], [], []>, transpose_lhs_hint = false} : vector<1x2048xbf16>, vector<2048x320xbf16>, vector<1x320xf32> -> vector<1x320xf32>
    %dot_general3A_80 = arith.constant dense<0.000000e+00> : vector<1x320xf32>
    %dot_general3A_81 = tpu.matmul %convert_element_type3A_35, %add3A, %dot_general3A_80 {dimension_numbers = #tpu.dot_dimension_numbers<[1], [0], [0], [1], [0, 0, 1, 1], [], []>, transpose_lhs_hint = false} : vector<1x2048xbf16>, vector<2048x320xbf16>, vector<1x320xf32> -> vector<1x320xf32>
    %add3A_82 = arith.addf %dot_general3A_79, %dot_general3A_81 : vector<1x320xf32>
    %dot_general3A_83 = arith.constant dense<0.000000e+00> : vector<1x320xf32>
    %dot_general3A_84 = tpu.matmul %convert_element_type3A_38, %add3A, %dot_general3A_83 {dimension_numbers = #tpu.dot_dimension_numbers<[1], [0], [0], [1], [0, 0, 1, 1], [], []>, transpose_lhs_hint = false} : vector<1x2048xbf16>, vector<2048x320xbf16>, vector<1x320xf32> -> vector<1x320xf32>
    %add3A_85 = arith.addf %add3A_82, %dot_general3A_84 : vector<1x320xf32>
    %sub3A_86 = arith.constant 1.000000e+00 : f32
    %sub3A_87 = vector.broadcast %sub3A_86 : f32 to vector<1x320xf32>
    %sub3A_88 = arith.subf %sub3A_87, %dot_general3A_77 : vector<1x320xf32>
    %mul3A = arith.constant 2.048000e+03 : f32
    %mul3A_89 = vector.broadcast %mul3A : f32 to vector<1x320xf32>
    %mul3A_90 = arith.mulf %sub3A_88, %mul3A_89 : vector<1x320xf32>
    %add3A_91 = arith.addf %add3A_85, %mul3A_90 : vector<1x320xf32>
    %mul3A_92 = arith.constant 8 : i32
    %mul3A_93 = arith.muli %mul3A_92, %arg0 : i32
    %add3A_94 = vector.broadcast %mul3A_93 : i32 to vector<64x8xi32>
    %add3A_95 = arith.addi %iota3A_17, %add3A_94 : vector<64x8xi32>
    %eq3A_96 = arith.cmpi eq, %iota3A_16, %add3A_95 : vector<64x8xi32>
    %convert_element_type3A_97 = arith.extui %eq3A_96 : vector<64x8xi1> to vector<64x8xi32>
    %convert_element_type3A_98 = arith.sitofp %convert_element_type3A_97 : vector<64x8xi32> to vector<64x8xf32>
    %dot_general3A_99 = arith.constant dense<0.000000e+00> : vector<320x64xf32>
    %dot_general3A_100 = tpu.matmul %add3A, %convert_element_type3A_26, %dot_general3A_99 {dimension_numbers = #tpu.dot_dimension_numbers<[0], [0], [1], [1], [0, 1, 1, 1], [], []>, transpose_lhs_hint = false} : vector<2048x320xbf16>, vector<2048x64xbf16>, vector<320x64xf32> -> vector<320x64xf32>
    %dot_general3A_101 = arith.constant dense<0.000000e+00> : vector<320x64xf32>
    %dot_general3A_102 = tpu.matmul %add3A, %convert_element_type3A_28, %dot_general3A_101 {dimension_numbers = #tpu.dot_dimension_numbers<[0], [0], [1], [1], [0, 1, 1, 1], [], []>, transpose_lhs_hint = false} : vector<2048x320xbf16>, vector<2048x64xbf16>, vector<320x64xf32> -> vector<320x64xf32>
    %add3A_103 = arith.addf %dot_general3A_100, %dot_general3A_102 : vector<320x64xf32>
    %dot_general3A_104 = arith.constant dense<0.000000e+00> : vector<320x64xf32>
    %dot_general3A_105 = tpu.matmul %add3A, %convert_element_type3A_31, %dot_general3A_104 {dimension_numbers = #tpu.dot_dimension_numbers<[0], [0], [1], [1], [0, 1, 1, 1], [], []>, transpose_lhs_hint = false} : vector<2048x320xbf16>, vector<2048x64xbf16>, vector<320x64xf32> -> vector<320x64xf32>
    %add3A_106 = arith.addf %add3A_103, %dot_general3A_105 : vector<320x64xf32>
    %dot_general3A_107 = arith.constant dense<0.000000e+00> : vector<320x8xf32>
    %dot_general3A_108 = tpu.matmul %add3A_106, %convert_element_type3A_98, %dot_general3A_107 {dimension_numbers = #tpu.dot_dimension_numbers<[1], [0], [0], [1], [0, 0, 1, 1], [], []>, precision = #tpu.contract_precision<fp32>, transpose_lhs_hint = false} : vector<320x64xf32>, vector<64x8xf32>, vector<320x8xf32> -> vector<320x8xf32>
    %dot_general3A_109 = arith.constant dense<0.000000e+00> : vector<320x1xf32>
    %dot_general3A_110 = tpu.matmul %convert_element_type3A_62, %convert_element_type3A_39, %dot_general3A_109 {dimension_numbers = #tpu.dot_dimension_numbers<[0], [0], [1], [1], [0, 1, 1, 1], [], []>, transpose_lhs_hint = false} : vector<2048x320xbf16>, vector<2048x1xbf16>, vector<320x1xf32> -> vector<320x1xf32>
    %dot_general3A_111 = arith.constant dense<0.000000e+00> : vector<320x1xf32>
    %dot_general3A_112 = tpu.matmul %convert_element_type3A_62, %convert_element_type3A_42, %dot_general3A_111 {dimension_numbers = #tpu.dot_dimension_numbers<[0], [0], [1], [1], [0, 1, 1, 1], [], []>, transpose_lhs_hint = false} : vector<2048x320xbf16>, vector<2048x1xbf16>, vector<320x1xf32> -> vector<320x1xf32>
    %add3A_113 = arith.addf %dot_general3A_110, %dot_general3A_112 : vector<320x1xf32>
    %dot_general3A_114 = arith.constant dense<0.000000e+00> : vector<320x1xf32>
    %dot_general3A_115 = tpu.matmul %convert_element_type3A_62, %convert_element_type3A_45, %dot_general3A_114 {dimension_numbers = #tpu.dot_dimension_numbers<[0], [0], [1], [1], [0, 1, 1, 1], [], []>, transpose_lhs_hint = false} : vector<2048x320xbf16>, vector<2048x1xbf16>, vector<320x1xf32> -> vector<320x1xf32>
    %add3A_116 = arith.addf %add3A_113, %dot_general3A_115 : vector<320x1xf32>
    %dot_general3A_117 = arith.constant dense<0.000000e+00> : vector<320x1xf32>
    %dot_general3A_118 = tpu.matmul %convert_element_type3A_75, %convert_element_type3A_46, %dot_general3A_117 {dimension_numbers = #tpu.dot_dimension_numbers<[0], [0], [1], [1], [0, 1, 1, 1], [], []>, transpose_lhs_hint = false} : vector<2048x320xbf16>, vector<2048x1xbf16>, vector<320x1xf32> -> vector<320x1xf32>
    %dot_general3A_119 = arith.constant dense<0.000000e+00> : vector<320x1xf32>
    %dot_general3A_120 = tpu.matmul %convert_element_type3A_75, %convert_element_type3A_49, %dot_general3A_119 {dimension_numbers = #tpu.dot_dimension_numbers<[0], [0], [1], [1], [0, 1, 1, 1], [], []>, transpose_lhs_hint = false} : vector<2048x320xbf16>, vector<2048x1xbf16>, vector<320x1xf32> -> vector<320x1xf32>
    %add3A_121 = arith.addf %dot_general3A_118, %dot_general3A_120 : vector<320x1xf32>
    %dot_general3A_122 = arith.constant dense<0.000000e+00> : vector<320x1xf32>
    %dot_general3A_123 = tpu.matmul %convert_element_type3A_75, %convert_element_type3A_52, %dot_general3A_122 {dimension_numbers = #tpu.dot_dimension_numbers<[0], [0], [1], [1], [0, 1, 1, 1], [], []>, transpose_lhs_hint = false} : vector<2048x320xbf16>, vector<2048x1xbf16>, vector<320x1xf32> -> vector<320x1xf32>
    %add3A_124 = arith.addf %add3A_121, %dot_general3A_123 : vector<320x1xf32>
    %add3A_125 = arith.addf %add3A_116, %add3A_124 : vector<320x1xf32>
    %gt3A_126 = arith.constant 5.000000e-01 : f32
    %gt3A_127 = vector.broadcast %gt3A_126 : f32 to vector<320x1xf32>
    %gt3A_128 = arith.cmpf ogt, %add3A_125, %gt3A_127 : vector<320x1xf32>
    %convert_element_type3A_129 = arith.extui %gt3A_128 : vector<320x1xi1> to vector<320x1xi32>
    %convert_element_type3A_130 = arith.sitofp %convert_element_type3A_129 : vector<320x1xi32> to vector<320x1xf32>
    %gt3A_131 = arith.constant 0.000000e+00 : f32
    %gt3A_132 = vector.broadcast %gt3A_131 : f32 to vector<320x1xf32>
    %gt3A_133 = arith.cmpf ogt, %add3A_125, %gt3A_132 : vector<320x1xf32>
    %convert_element_type3A_134 = arith.extui %gt3A_133 : vector<320x1xi1> to vector<320x1xi32>
    %convert_element_type3A_135 = arith.sitofp %convert_element_type3A_134 : vector<320x1xi32> to vector<320x1xf32>
    %reduce_max3A = arith.constant dense<0xFF800000> : vector<320xf32>
    %reduce_max3A_136 = vector.multi_reduction <maximumf>, %dot_general3A_108, %reduce_max3A [1] : vector<320x8xf32> to vector<320xf32>
    %broadcast_in_dim3A_137 = vector.shape_cast %reduce_max3A_136 : vector<320xf32> to vector<320x1xf32>
    %eq3A_138 = vector.broadcast %broadcast_in_dim3A_137 : vector<320x1xf32> to vector<320x8xf32>
    %eq3A_139 = arith.cmpf oeq, %dot_general3A_108, %eq3A_138 : vector<320x8xf32>
    %jit3A = arith.constant 8 : i32
    %broadcast_in_dim3A_140 = vector.broadcast %jit3A : i32 to vector<320x8xi32>
    %select_n3A = arith.select %eq3A_139, %iota3A_12, %broadcast_in_dim3A_140 : vector<320x8xi1>, vector<320x8xi32>
    %reduce_min3A = arith.constant dense<2147483647> : vector<320xi32>
    %reduce_min3A_141 = vector.multi_reduction <minsi>, %select_n3A, %reduce_min3A [1] : vector<320x8xi32> to vector<320xi32>
    %broadcast_in_dim3A_142 = vector.shape_cast %reduce_min3A_141 : vector<320xi32> to vector<320x1xi32>
    %eq3A_143 = vector.broadcast %broadcast_in_dim3A_142 : vector<320x1xi32> to vector<320x8xi32>
    %eq3A_144 = arith.cmpi eq, %iota3A_12, %eq3A_143 : vector<320x8xi32>
    %convert_element_type3A_145 = arith.extui %eq3A_144 : vector<320x8xi1> to vector<320x8xi32>
    %convert_element_type3A_146 = arith.sitofp %convert_element_type3A_145 : vector<320x8xi32> to vector<320x8xf32>
    %mul3A_147 = vector.broadcast %convert_element_type3A_130 : vector<320x1xf32> to vector<320x8xf32>
    %mul3A_148 = arith.mulf %convert_element_type3A_146, %mul3A_147 : vector<320x8xf32>
    %mul3A_149 = arith.mulf %broadcast_in_dim3A_137, %convert_element_type3A_130 : vector<320x1xf32>
    %sub3A_150 = arith.constant 1.000000e+00 : f32
    %sub3A_151 = vector.broadcast %sub3A_150 : f32 to vector<320x8xf32>
    %sub3A_152 = arith.subf %sub3A_151, %mul3A_148 : vector<320x8xf32>
    %mul3A_153 = arith.mulf %dot_general3A_108, %sub3A_152 : vector<320x8xf32>
    %reduce_max3A_154 = arith.constant dense<0xFF800000> : vector<320xf32>
    %reduce_max3A_155 = vector.multi_reduction <maximumf>, %mul3A_153, %reduce_max3A_154 [1] : vector<320x8xf32> to vector<320xf32>
    %broadcast_in_dim3A_156 = vector.shape_cast %reduce_max3A_155 : vector<320xf32> to vector<320x1xf32>
    %eq3A_157 = vector.broadcast %broadcast_in_dim3A_156 : vector<320x1xf32> to vector<320x8xf32>
    %eq3A_158 = arith.cmpf oeq, %mul3A_153, %eq3A_157 : vector<320x8xf32>
    %jit3A_159 = arith.constant 8 : i32
    %broadcast_in_dim3A_160 = vector.broadcast %jit3A_159 : i32 to vector<320x8xi32>
    %select_n3A_161 = arith.select %eq3A_158, %iota3A_12, %broadcast_in_dim3A_160 : vector<320x8xi1>, vector<320x8xi32>
    %reduce_min3A_162 = arith.constant dense<2147483647> : vector<320xi32>
    %reduce_min3A_163 = vector.multi_reduction <minsi>, %select_n3A_161, %reduce_min3A_162 [1] : vector<320x8xi32> to vector<320xi32>
    %broadcast_in_dim3A_164 = vector.shape_cast %reduce_min3A_163 : vector<320xi32> to vector<320x1xi32>
    %eq3A_165 = vector.broadcast %broadcast_in_dim3A_164 : vector<320x1xi32> to vector<320x8xi32>
    %eq3A_166 = arith.cmpi eq, %iota3A_12, %eq3A_165 : vector<320x8xi32>
    %convert_element_type3A_167 = arith.extui %eq3A_166 : vector<320x8xi1> to vector<320x8xi32>
    %convert_element_type3A_168 = arith.sitofp %convert_element_type3A_167 : vector<320x8xi32> to vector<320x8xf32>
    %mul3A_169 = vector.broadcast %convert_element_type3A_135 : vector<320x1xf32> to vector<320x8xf32>
    %mul3A_170 = arith.mulf %convert_element_type3A_168, %mul3A_169 : vector<320x8xf32>
    %add3A_171 = arith.addf %mul3A_149, %broadcast_in_dim3A_156 : vector<320x1xf32>
    %add3A_172 = arith.constant 9.99999971E-10 : f32
    %add3A_173 = vector.broadcast %add3A_172 : f32 to vector<320x1xf32>
    %add3A_174 = arith.addf %add3A_171, %add3A_173 : vector<320x1xf32>
    %div3A = arith.divf %mul3A_149, %add3A_174 : vector<320x1xf32>
    %div3A_175 = arith.divf %broadcast_in_dim3A_156, %add3A_174 : vector<320x1xf32>
    %reduce_sum3A = arith.constant dense<0.000000e+00> : vector<8xf32>
    %reduce_sum3A_176 = vector.multi_reduction <add>, %mul3A_148, %reduce_sum3A [0] : vector<320x8xf32> to vector<8xf32>
    %div3A_177 = arith.constant 3.200000e+02 : f32
    %div3A_178 = vector.broadcast %div3A_177 : f32 to vector<8xf32>
    %div3A_179 = arith.divf %reduce_sum3A_176, %div3A_178 : vector<8xf32>
    %mul3A_180 = vector.broadcast %convert_element_type3A_130 : vector<320x1xf32> to vector<320x8xf32>
    %mul3A_181 = arith.mulf %dot_general3A_108, %mul3A_180 : vector<320x8xf32>
    %reduce_sum3A_182 = arith.constant dense<0.000000e+00> : vector<8xf32>
    %reduce_sum3A_183 = vector.multi_reduction <add>, %mul3A_181, %reduce_sum3A_182 [0] : vector<320x8xf32> to vector<8xf32>
    %div3A_184 = arith.constant 3.200000e+02 : f32
    %div3A_185 = vector.broadcast %div3A_184 : f32 to vector<8xf32>
    %div3A_186 = arith.divf %reduce_sum3A_183, %div3A_185 : vector<8xf32>
    %mul3A_187 = arith.mulf %div3A_179, %div3A_186 : vector<8xf32>
    %reduce_sum3A_188 = vector.shape_cast %mul3A_187 : vector<8xf32> to vector<1x8xf32>
    %reduce_sum3A_189 = arith.constant dense<0.000000e+00> : vector<1xf32>
    %reduce_sum3A_190 = vector.multi_reduction <add>, %reduce_sum3A_188, %reduce_sum3A_189 [1] : vector<1x8xf32> to vector<1xf32>
    %reduce_sum3A_191 = vector.shape_cast %reduce_sum3A_190 : vector<1xf32> to vector<1x1xf32>
    %reduce_sum3A_192 = vector.extract %reduce_sum3A_191[0, 0] : f32 from vector<1x1xf32>
    %convert_element_type3A_193 = arith.truncf %mul3A_148 : vector<320x8xf32> to vector<320x8xbf16>
    %dot_general3A_194 = arith.constant dense<0.000000e+00> : vector<320x8xf32>
    %dot_general3A_195 = tpu.matmul %convert_element_type3A_22, %convert_element_type3A_193, %dot_general3A_194 {dimension_numbers = #tpu.dot_dimension_numbers<[1], [0], [0], [1], [0, 0, 1, 1], [], []>, transpose_lhs_hint = false} : vector<320x320xbf16>, vector<320x8xbf16>, vector<320x8xf32> -> vector<320x8xf32>
    %sub3A_196 = arith.subf %dot_general3A_195, %mul3A_148 : vector<320x8xf32>
    %mul3A_197 = arith.mulf %sub3A_196, %mul3A_148 : vector<320x8xf32>
    %lt3A = arith.constant 5.000000e+01 : f32
    %lt3A_198 = vector.broadcast %lt3A : f32 to vector<320x8xf32>
    %lt3A_199 = arith.cmpf olt, %mul3A_197, %lt3A_198 : vector<320x8xf32>
    %convert_element_type3A_200 = arith.extui %lt3A_199 : vector<320x8xi1> to vector<320x8xi32>
    %convert_element_type3A_201 = arith.sitofp %convert_element_type3A_200 : vector<320x8xi32> to vector<320x8xf32>
    %mul3A_202 = arith.mulf %mul3A_148, %convert_element_type3A_201 : vector<320x8xf32>
    %reduce_sum3A_203 = arith.constant dense<0.000000e+00> : vector<8xf32>
    %reduce_sum3A_204 = vector.multi_reduction <add>, %mul3A_202, %reduce_sum3A_203 [0] : vector<320x8xf32> to vector<8xf32>
    %broadcast_in_dim3A_205 = vector.shape_cast %reduce_sum3A_204 : vector<8xf32> to vector<1x8xf32>
    %reduce_sum3A_206 = arith.constant dense<0.000000e+00> : vector<320xf32>
    %reduce_sum3A_207 = vector.multi_reduction <add>, %mul3A_202, %reduce_sum3A_206 [1] : vector<320x8xf32> to vector<320xf32>
    %broadcast_in_dim3A_208 = vector.shape_cast %reduce_sum3A_207 : vector<320xf32> to vector<320x1xf32>
    %reduce_sum3A_209 = arith.constant dense<0.000000e+00> : vector<320xf32>
    %reduce_sum3A_210 = vector.multi_reduction <add>, %mul3A_197, %reduce_sum3A_209 [1] : vector<320x8xf32> to vector<320xf32>
    %broadcast_in_dim3A_211 = vector.shape_cast %reduce_sum3A_210 : vector<320xf32> to vector<320x1xf32>
    %convert_element_type3A_212 = arith.fptosi %broadcast_in_dim3A_211 : vector<320x1xf32> to vector<320x1xi32>
    %mul3A_213 = arith.mulf %div3A, %broadcast_in_dim3A_208 : vector<320x1xf32>
    %convert_element_type3A_214 = arith.truncf %mul3A_170 : vector<320x8xf32> to vector<320x8xbf16>
    %dot_general3A_215 = arith.constant dense<0.000000e+00> : vector<320x8xf32>
    %dot_general3A_216 = tpu.matmul %convert_element_type3A_22, %convert_element_type3A_214, %dot_general3A_215 {dimension_numbers = #tpu.dot_dimension_numbers<[1], [0], [0], [1], [0, 0, 1, 1], [], []>, transpose_lhs_hint = false} : vector<320x320xbf16>, vector<320x8xbf16>, vector<320x8xf32> -> vector<320x8xf32>
    %sub3A_217 = arith.subf %dot_general3A_216, %mul3A_170 : vector<320x8xf32>
    %add3A_218 = vector.broadcast %broadcast_in_dim3A_205 : vector<1x8xf32> to vector<320x8xf32>
    %add3A_219 = arith.addf %sub3A_217, %add3A_218 : vector<320x8xf32>
    %mul3A_220 = arith.mulf %add3A_219, %mul3A_170 : vector<320x8xf32>
    %lt3A_221 = arith.constant 5.000000e+01 : f32
    %lt3A_222 = vector.broadcast %lt3A_221 : f32 to vector<320x8xf32>
    %lt3A_223 = arith.cmpf olt, %mul3A_220, %lt3A_222 : vector<320x8xf32>
    %convert_element_type3A_224 = arith.extui %lt3A_223 : vector<320x8xi1> to vector<320x8xi32>
    %convert_element_type3A_225 = arith.sitofp %convert_element_type3A_224 : vector<320x8xi32> to vector<320x8xf32>
    %mul3A_226 = arith.mulf %mul3A_170, %convert_element_type3A_225 : vector<320x8xf32>
    %reduce_sum3A_227 = arith.constant dense<0.000000e+00> : vector<320xf32>
    %reduce_sum3A_228 = vector.multi_reduction <add>, %mul3A_226, %reduce_sum3A_227 [1] : vector<320x8xf32> to vector<320xf32>
    %broadcast_in_dim3A_229 = vector.shape_cast %reduce_sum3A_228 : vector<320xf32> to vector<320x1xf32>
    %reduce_sum3A_230 = arith.constant dense<0.000000e+00> : vector<320xf32>
    %reduce_sum3A_231 = vector.multi_reduction <add>, %mul3A_220, %reduce_sum3A_230 [1] : vector<320x8xf32> to vector<320xf32>
    %broadcast_in_dim3A_232 = vector.shape_cast %reduce_sum3A_231 : vector<320xf32> to vector<320x1xf32>
    %convert_element_type3A_233 = arith.fptosi %broadcast_in_dim3A_232 : vector<320x1xf32> to vector<320x1xi32>
    %mul3A_234 = arith.mulf %div3A_175, %broadcast_in_dim3A_229 : vector<320x1xf32>
    %mul3A_235 = arith.constant 64 : i32
    %mul3A_236 = vector.broadcast %mul3A_235 : i32 to vector<320x1xi32>
    %mul3A_237 = arith.muli %broadcast_in_dim3A_142, %mul3A_236 : vector<320x1xi32>
    %add3A_238 = arith.addi %mul3A_237, %convert_element_type3A_212 : vector<320x1xi32>
    %mul3A_239 = arith.constant 64 : i32
    %mul3A_240 = vector.broadcast %mul3A_239 : i32 to vector<320x1xi32>
    %mul3A_241 = arith.muli %broadcast_in_dim3A_164, %mul3A_240 : vector<320x1xi32>
    %add3A_242 = arith.addi %mul3A_241, %convert_element_type3A_233 : vector<320x1xi32>
    %eq3A_243 = vector.broadcast %add3A_238 : vector<320x1xi32> to vector<320x512xi32>
    %eq3A_244 = arith.cmpi eq, %iota3A_13, %eq3A_243 : vector<320x512xi32>
    %gt3A_245 = arith.constant 0.000000e+00 : f32
    %gt3A_246 = vector.broadcast %gt3A_245 : f32 to vector<320x1xf32>
    %gt3A_247 = arith.cmpf ogt, %broadcast_in_dim3A_208, %gt3A_246 : vector<320x1xf32>
    %and3A_248 = vector.broadcast %gt3A_247 : vector<320x1xi1> to vector<320x512xi1>
    %and3A_249 = arith.andi %eq3A_244, %and3A_248 : vector<320x512xi1>
    %convert_element_type3A_250 = arith.extui %and3A_249 : vector<320x512xi1> to vector<320x512xi32>
    %convert_element_type3A_251 = arith.sitofp %convert_element_type3A_250 : vector<320x512xi32> to vector<320x512xf32>
    %convert_element_type3A_252 = arith.truncf %convert_element_type3A_251 : vector<320x512xf32> to vector<320x512xbf16>
    %eq3A_253 = vector.broadcast %add3A_242 : vector<320x1xi32> to vector<320x512xi32>
    %eq3A_254 = arith.cmpi eq, %iota3A_13, %eq3A_253 : vector<320x512xi32>
    %gt3A_255 = arith.constant 0.000000e+00 : f32
    %gt3A_256 = vector.broadcast %gt3A_255 : f32 to vector<320x1xf32>
    %gt3A_257 = arith.cmpf ogt, %broadcast_in_dim3A_229, %gt3A_256 : vector<320x1xf32>
    %and3A_258 = vector.broadcast %gt3A_257 : vector<320x1xi1> to vector<320x512xi1>
    %and3A_259 = arith.andi %eq3A_254, %and3A_258 : vector<320x512xi1>
    %convert_element_type3A_260 = arith.extui %and3A_259 : vector<320x512xi1> to vector<320x512xi32>
    %convert_element_type3A_261 = arith.sitofp %convert_element_type3A_260 : vector<320x512xi32> to vector<320x512xf32>
    %convert_element_type3A_262 = arith.truncf %convert_element_type3A_261 : vector<320x512xf32> to vector<320x512xbf16>
    %add3A_263 = arith.addf %convert_element_type3A_252, %convert_element_type3A_262 : vector<320x512xbf16>
    %broadcast_in_dim3A_264 = arith.constant 1.000000e+00 : bf16
    %broadcast_in_dim3A_265 = vector.broadcast %broadcast_in_dim3A_264 : bf16 to vector<1x320xbf16>
    %dot_general3A_266 = arith.constant dense<0.000000e+00> : vector<1x512xf32>
    %dot_general3A_267 = tpu.matmul %broadcast_in_dim3A_265, %add3A_263, %dot_general3A_266 {dimension_numbers = #tpu.dot_dimension_numbers<[1], [0], [0], [1], [0, 0, 1, 1], [], []>, transpose_lhs_hint = false} : vector<1x320xbf16>, vector<320x512xbf16>, vector<1x512xf32> -> vector<1x512xf32>
    %convert_element_type3A_268 = arith.truncf %add3A_91 : vector<1x320xf32> to vector<1x320xbf16>
    %convert_element_type3A_269 = arith.extf %convert_element_type3A_268 : vector<1x320xbf16> to vector<1x320xf32>
    %sub3A_270 = arith.subf %add3A_91, %convert_element_type3A_269 : vector<1x320xf32>
    %convert_element_type3A_271 = arith.truncf %sub3A_270 : vector<1x320xf32> to vector<1x320xbf16>
    %convert_element_type3A_272 = arith.extf %convert_element_type3A_271 : vector<1x320xbf16> to vector<1x320xf32>
    %sub3A_273 = arith.subf %sub3A_270, %convert_element_type3A_272 : vector<1x320xf32>
    %convert_element_type3A_274 = arith.truncf %sub3A_273 : vector<1x320xf32> to vector<1x320xbf16>
    %dot_general3A_275 = arith.constant dense<0.000000e+00> : vector<1x512xf32>
    %dot_general3A_276 = tpu.matmul %convert_element_type3A_268, %add3A_263, %dot_general3A_275 {dimension_numbers = #tpu.dot_dimension_numbers<[1], [0], [0], [1], [0, 0, 1, 1], [], []>, transpose_lhs_hint = false} : vector<1x320xbf16>, vector<320x512xbf16>, vector<1x512xf32> -> vector<1x512xf32>
    %dot_general3A_277 = arith.constant dense<0.000000e+00> : vector<1x512xf32>
    %dot_general3A_278 = tpu.matmul %convert_element_type3A_271, %add3A_263, %dot_general3A_277 {dimension_numbers = #tpu.dot_dimension_numbers<[1], [0], [0], [1], [0, 0, 1, 1], [], []>, transpose_lhs_hint = false} : vector<1x320xbf16>, vector<320x512xbf16>, vector<1x512xf32> -> vector<1x512xf32>
    %add3A_279 = arith.addf %dot_general3A_276, %dot_general3A_278 : vector<1x512xf32>
    %dot_general3A_280 = arith.constant dense<0.000000e+00> : vector<1x512xf32>
    %dot_general3A_281 = tpu.matmul %convert_element_type3A_274, %add3A_263, %dot_general3A_280 {dimension_numbers = #tpu.dot_dimension_numbers<[1], [0], [0], [1], [0, 0, 1, 1], [], []>, transpose_lhs_hint = false} : vector<1x320xbf16>, vector<320x512xbf16>, vector<1x512xf32> -> vector<1x512xf32>
    %add3A_282 = arith.addf %add3A_279, %dot_general3A_281 : vector<1x512xf32>
    %sub3A_283 = arith.constant 1.000000e+00 : f32
    %sub3A_284 = vector.broadcast %sub3A_283 : f32 to vector<1x512xf32>
    %sub3A_285 = arith.subf %sub3A_284, %dot_general3A_267 : vector<1x512xf32>
    %mul3A_286 = arith.constant 2.048000e+03 : f32
    %mul3A_287 = vector.broadcast %mul3A_286 : f32 to vector<1x512xf32>
    %mul3A_288 = arith.mulf %sub3A_285, %mul3A_287 : vector<1x512xf32>
    %add3A_289 = arith.addf %add3A_282, %mul3A_288 : vector<1x512xf32>
    %convert_element_type3A_290 = arith.fptosi %add3A_289 : vector<1x512xf32> to vector<1x512xi32>
    %reshape3A = vector.shape_cast %convert_element_type3A_290 : vector<1x512xi32> to vector<1x1x512xi32>
    %swap3A = arith.constant 0 : index
    %swap3A_291 = arith.constant 0 : index
    %swap3A_292 = arith.constant 0 : index
    %swap3A_293 = vector.load %arg3[%swap3A, %swap3A_291, %swap3A_292] : memref<1x1x512xi32, #tpu.memory_space<vmem>>, vector<1x1x512xi32>
    tpu.vector_store %arg3[%swap3A, %swap3A_291, %swap3A_292], %reshape3A {strides = array<i32>} : memref<1x1x512xi32, #tpu.memory_space<vmem>>, vector<1x1x512xi32>,
    %mul3A_294 = arith.constant 512 : i32
    %mul3A_295 = arith.muli %arg0, %mul3A_294 : i32
    %convert_element_type3A_296 = arith.sitofp %mul3A_295 : i32 to f32
    %convert_element_type3A_297 = arith.sitofp %add3A_238 : vector<320x1xi32> to vector<320x1xf32>
    %add3A_298 = vector.broadcast %convert_element_type3A_296 : f32 to vector<320x1xf32>
    %add3A_299 = arith.addf %convert_element_type3A_297, %add3A_298 : vector<320x1xf32>
    %convert_element_type3A_300 = arith.sitofp %add3A_242 : vector<320x1xi32> to vector<320x1xf32>
    %add3A_301 = vector.broadcast %convert_element_type3A_296 : f32 to vector<320x1xf32>
    %add3A_302 = arith.addf %convert_element_type3A_300, %add3A_301 : vector<320x1xf32>
    %concatenate3A = tpu.concatenate %mul3A_213, %mul3A_234, %add3A_299, %add3A_302 in 1 : vector<320x1xf32>, vector<320x1xf32>, vector<320x1xf32>, vector<320x1xf32> -> vector<320x4xf32>
    %convert_element_type3A_303 = arith.truncf %concatenate3A : vector<320x4xf32> to vector<320x4xbf16>
    %convert_element_type3A_304 = arith.extf %convert_element_type3A_303 : vector<320x4xbf16> to vector<320x4xf32>
    %sub3A_305 = arith.subf %concatenate3A, %convert_element_type3A_304 : vector<320x4xf32>
    %convert_element_type3A_306 = arith.truncf %sub3A_305 : vector<320x4xf32> to vector<320x4xbf16>
    %convert_element_type3A_307 = arith.extf %convert_element_type3A_306 : vector<320x4xbf16> to vector<320x4xf32>
    %sub3A_308 = arith.subf %sub3A_305, %convert_element_type3A_307 : vector<320x4xf32>
    %convert_element_type3A_309 = arith.truncf %sub3A_308 : vector<320x4xf32> to vector<320x4xbf16>
    %dot_general3A_310 = arith.constant dense<0.000000e+00> : vector<2048x4xf32>
    %dot_general3A_311 = tpu.matmul %convert_element_type3A_62, %convert_element_type3A_303, %dot_general3A_310 {dimension_numbers = #tpu.dot_dimension_numbers<[1], [0], [0], [1], [0, 0, 1, 1], [], []>, transpose_lhs_hint = false} : vector<2048x320xbf16>, vector<320x4xbf16>, vector<2048x4xf32> -> vector<2048x4xf32>
    %dot_general3A_312 = arith.constant dense<0.000000e+00> : vector<2048x4xf32>
    %dot_general3A_313 = tpu.matmul %convert_element_type3A_62, %convert_element_type3A_306, %dot_general3A_312 {dimension_numbers = #tpu.dot_dimension_numbers<[1], [0], [0], [1], [0, 0, 1, 1], [], []>, transpose_lhs_hint = false} : vector<2048x320xbf16>, vector<320x4xbf16>, vector<2048x4xf32> -> vector<2048x4xf32>
    %add3A_314 = arith.addf %dot_general3A_311, %dot_general3A_313 : vector<2048x4xf32>
    %dot_general3A_315 = arith.constant dense<0.000000e+00> : vector<2048x4xf32>
    %dot_general3A_316 = tpu.matmul %convert_element_type3A_62, %convert_element_type3A_309, %dot_general3A_315 {dimension_numbers = #tpu.dot_dimension_numbers<[1], [0], [0], [1], [0, 0, 1, 1], [], []>, transpose_lhs_hint = false} : vector<2048x320xbf16>, vector<320x4xbf16>, vector<2048x4xf32> -> vector<2048x4xf32>
    %add3A_317 = arith.addf %add3A_314, %dot_general3A_316 : vector<2048x4xf32>
    %convert_element_type3A_318 = arith.truncf %concatenate3A : vector<320x4xf32> to vector<320x4xbf16>
    %convert_element_type3A_319 = arith.extf %convert_element_type3A_318 : vector<320x4xbf16> to vector<320x4xf32>
    %sub3A_320 = arith.subf %concatenate3A, %convert_element_type3A_319 : vector<320x4xf32>
    %convert_element_type3A_321 = arith.truncf %sub3A_320 : vector<320x4xf32> to vector<320x4xbf16>
    %convert_element_type3A_322 = arith.extf %convert_element_type3A_321 : vector<320x4xbf16> to vector<320x4xf32>
    %sub3A_323 = arith.subf %sub3A_320, %convert_element_type3A_322 : vector<320x4xf32>
    %convert_element_type3A_324 = arith.truncf %sub3A_323 : vector<320x4xf32> to vector<320x4xbf16>
    %dot_general3A_325 = arith.constant dense<0.000000e+00> : vector<2048x4xf32>
    %dot_general3A_326 = tpu.matmul %convert_element_type3A_75, %convert_element_type3A_318, %dot_general3A_325 {dimension_numbers = #tpu.dot_dimension_numbers<[1], [0], [0], [1], [0, 0, 1, 1], [], []>, transpose_lhs_hint = false} : vector<2048x320xbf16>, vector<320x4xbf16>, vector<2048x4xf32> -> vector<2048x4xf32>
    %dot_general3A_327 = arith.constant dense<0.000000e+00> : vector<2048x4xf32>
    %dot_general3A_328 = tpu.matmul %convert_element_type3A_75, %convert_element_type3A_321, %dot_general3A_327 {dimension_numbers = #tpu.dot_dimension_numbers<[1], [0], [0], [1], [0, 0, 1, 1], [], []>, transpose_lhs_hint = false} : vector<2048x320xbf16>, vector<320x4xbf16>, vector<2048x4xf32> -> vector<2048x4xf32>
    %add3A_329 = arith.addf %dot_general3A_326, %dot_general3A_328 : vector<2048x4xf32>
    %dot_general3A_330 = arith.constant dense<0.000000e+00> : vector<2048x4xf32>
    %dot_general3A_331 = tpu.matmul %convert_element_type3A_75, %convert_element_type3A_324, %dot_general3A_330 {dimension_numbers = #tpu.dot_dimension_numbers<[1], [0], [0], [1], [0, 0, 1, 1], [], []>, transpose_lhs_hint = false} : vector<2048x320xbf16>, vector<320x4xbf16>, vector<2048x4xf32> -> vector<2048x4xf32>
    %add3A_332 = arith.addf %add3A_329, %dot_general3A_331 : vector<2048x4xf32>
    %eq3A_333 = arith.constant 0 : i32
    %eq3A_334 = arith.cmpi eq, %arg0, %eq3A_333 : i32
    %convert_element_type3A_335 = arith.extui %eq3A_334 : i1 to i32
    %cond3A = arith.constant 0 : i32
    %cond3A_336 = arith.cmpi ne, %convert_element_type3A_335, %cond3A : i32
    scf.if %cond3A_336 {
      %broadcast_in_dim3A_364 = arith.constant 0.000000e+00 : f32
      %broadcast_in_dim3A_365 = vector.broadcast %broadcast_in_dim3A_364 : f32 to vector<2048x4xf32>
      %swap3A_366 = arith.constant 0 : index
      %swap3A_367 = arith.constant 0 : index
      %swap3A_368 = vector.load %arg4[%swap3A_366, %swap3A_367] : memref<2048x4xf32, #tpu.memory_space<vmem>>, vector<2048x4xf32>
      tpu.vector_store %arg4[%swap3A_366, %swap3A_367], %broadcast_in_dim3A_365 {strides = array<i32>} : memref<2048x4xf32, #tpu.memory_space<vmem>>, vector<2048x4xf32>,
      %broadcast_in_dim3A_369 = arith.constant 0.000000e+00 : f32
      %broadcast_in_dim3A_370 = vector.broadcast %broadcast_in_dim3A_369 : f32 to vector<2048x4xf32>
      %swap3A_371 = arith.constant 0 : index
      %swap3A_372 = arith.constant 0 : index
      %swap3A_373 = vector.load %arg5[%swap3A_371, %swap3A_372] : memref<2048x4xf32, #tpu.memory_space<vmem>>, vector<2048x4xf32>
      tpu.vector_store %arg5[%swap3A_371, %swap3A_372], %broadcast_in_dim3A_370 {strides = array<i32>} : memref<2048x4xf32, #tpu.memory_space<vmem>>, vector<2048x4xf32>,
      %broadcast_in_dim3A_374 = arith.constant 0.000000e+00 : f32
      %broadcast_in_dim3A_375 = vector.broadcast %broadcast_in_dim3A_374 : f32 to vector<1x1xf32>
      %swap3A_376 = arith.constant 0 : index
      %swap3A_377 = arith.constant 0 : index
      %swap3A_378 = vector.load %arg8[%swap3A_376, %swap3A_377] : memref<1x1xf32, #tpu.memory_space<vmem>>, vector<1x1xf32>
      tpu.vector_store %arg8[%swap3A_376, %swap3A_377], %broadcast_in_dim3A_375 {strides = array<i32>} : memref<1x1xf32, #tpu.memory_space<vmem>>, vector<1x1xf32>,
    } else {
    }
    %get3A_337 = arith.constant 0 : index
    %get3A_338 = arith.constant 0 : index
    %get3A_339 = vector.load %arg4[%get3A_337, %get3A_338] : memref<2048x4xf32, #tpu.memory_space<vmem>>, vector<2048x4xf32>
    %add3A_340 = arith.addf %get3A_339, %add3A_317 : vector<2048x4xf32>
    %swap3A_341 = arith.constant 0 : index
    %swap3A_342 = arith.constant 0 : index
    %swap3A_343 = vector.load %arg4[%swap3A_341, %swap3A_342] : memref<2048x4xf32, #tpu.memory_space<vmem>>, vector<2048x4xf32>
    tpu.vector_store %arg4[%swap3A_341, %swap3A_342], %add3A_340 {strides = array<i32>} : memref<2048x4xf32, #tpu.memory_space<vmem>>, vector<2048x4xf32>,
    %get3A_344 = arith.constant 0 : index
    %get3A_345 = arith.constant 0 : index
    %get3A_346 = vector.load %arg5[%get3A_344, %get3A_345] : memref<2048x4xf32, #tpu.memory_space<vmem>>, vector<2048x4xf32>
    %add3A_347 = arith.addf %get3A_346, %add3A_332 : vector<2048x4xf32>
    %swap3A_348 = arith.constant 0 : index
    %swap3A_349 = arith.constant 0 : index
    %swap3A_350 = vector.load %arg5[%swap3A_348, %swap3A_349] : memref<2048x4xf32, #tpu.memory_space<vmem>>, vector<2048x4xf32>
    tpu.vector_store %arg5[%swap3A_348, %swap3A_349], %add3A_347 {strides = array<i32>} : memref<2048x4xf32, #tpu.memory_space<vmem>>, vector<2048x4xf32>,
    %get3A_351 = arith.constant 0 : index
    %get3A_352 = arith.constant 0 : index
    %get3A_353 = vector.load %arg8[%get3A_351, %get3A_352] : memref<1x1xf32, #tpu.memory_space<vmem>>, vector<1x1xf32>
    %reshape3A_354 = vector.broadcast %reduce_sum3A_192 : f32 to vector<1x1xf32>
    %add3A_355 = arith.addf %get3A_353, %reshape3A_354 : vector<1x1xf32>
    %swap3A_356 = arith.constant 0 : index
    %swap3A_357 = arith.constant 0 : index
    %swap3A_358 = vector.load %arg8[%swap3A_356, %swap3A_357] : memref<1x1xf32, #tpu.memory_space<vmem>>, vector<1x1xf32>
    tpu.vector_store %arg8[%swap3A_356, %swap3A_357], %add3A_355 {strides = array<i32>} : memref<1x1xf32, #tpu.memory_space<vmem>>, vector<1x1xf32>,
    %eq3A_359 = arith.constant 7 : i32
    %eq3A_360 = arith.cmpi eq, %arg0, %eq3A_359 : i32
    %convert_element_type3A_361 = arith.extui %eq3A_360 : i1 to i32
    %cond3A_362 = arith.constant 0 : i32
    %cond3A_363 = arith.cmpi ne, %convert_element_type3A_361, %cond3A_362 : i32
    scf.if %cond3A_363 {
      %get3A_364 = arith.constant 0 : index
      %get3A_365 = arith.constant 0 : index
      %get3A_366 = vector.load %arg4[%get3A_364, %get3A_365] : memref<2048x4xf32, #tpu.memory_space<vmem>>, vector<2048x4xf32>
      %get3A_367 = arith.constant 0 : index
      %get3A_368 = arith.constant 0 : index
      %get3A_369 = vector.load %arg5[%get3A_367, %get3A_368] : memref<2048x4xf32, #tpu.memory_space<vmem>>, vector<2048x4xf32>
      %slice3A_370 = vector.extract_strided_slice %get3A_366 {offsets = [0, 0], sizes = [2048, 1], strides = [1, 1]} : vector<2048x4xf32> to vector<2048x1xf32>
      %mul3A_371 = arith.mulf %slice3A_5, %slice3A_370 : vector<2048x1xf32>
      %slice3A_372 = vector.extract_strided_slice %get3A_366 {offsets = [0, 1], sizes = [2048, 1], strides = [1, 1]} : vector<2048x4xf32> to vector<2048x1xf32>
      %mul3A_373 = arith.mulf %slice3A_5, %slice3A_372 : vector<2048x1xf32>
      %slice3A_374 = vector.extract_strided_slice %get3A_369 {offsets = [0, 0], sizes = [2048, 1], strides = [1, 1]} : vector<2048x4xf32> to vector<2048x1xf32>
      %mul3A_375 = arith.mulf %slice3A_11, %slice3A_374 : vector<2048x1xf32>
      %slice3A_376 = vector.extract_strided_slice %get3A_369 {offsets = [0, 1], sizes = [2048, 1], strides = [1, 1]} : vector<2048x4xf32> to vector<2048x1xf32>
      %mul3A_377 = arith.mulf %slice3A_11, %slice3A_376 : vector<2048x1xf32>
      %concatenate3A_378 = tpu.concatenate %mul3A_371, %mul3A_373, %mul3A_375, %mul3A_377 in 1 : vector<2048x1xf32>, vector<2048x1xf32>, vector<2048x1xf32>, vector<2048x1xf32> -> vector<2048x4xf32>
      %slice3A_379 = vector.extract_strided_slice %get3A_366 {offsets = [0, 2], sizes = [2048, 1], strides = [1, 1]} : vector<2048x4xf32> to vector<2048x1xf32>
      %slice3A_380 = vector.extract_strided_slice %get3A_366 {offsets = [0, 3], sizes = [2048, 1], strides = [1, 1]} : vector<2048x4xf32> to vector<2048x1xf32>
      %slice3A_381 = vector.extract_strided_slice %get3A_369 {offsets = [0, 2], sizes = [2048, 1], strides = [1, 1]} : vector<2048x4xf32> to vector<2048x1xf32>
      %slice3A_382 = vector.extract_strided_slice %get3A_369 {offsets = [0, 3], sizes = [2048, 1], strides = [1, 1]} : vector<2048x4xf32> to vector<2048x1xf32>
      %concatenate3A_383 = tpu.concatenate %slice3A_379, %slice3A_380, %slice3A_381, %slice3A_382 in 1 : vector<2048x1xf32>, vector<2048x1xf32>, vector<2048x1xf32>, vector<2048x1xf32> -> vector<2048x4xf32>
      %convert_element_type3A_384 = arith.fptosi %concatenate3A_383 : vector<2048x4xf32> to vector<2048x4xi32>
      %ne3A = arith.constant 0.000000e+00 : f32
      %ne3A_385 = vector.broadcast %ne3A : f32 to vector<2048x4xf32>
      %ne3A_386 = arith.cmpf one, %concatenate3A_378, %ne3A_385 : vector<2048x4xf32>
      %jit3A_387 = arith.constant 0 : i32
      %broadcast_in_dim3A_388 = vector.broadcast %jit3A_387 : i32 to vector<2048x4xi32>
      %select_n3A_389 = arith.select %ne3A_386, %convert_element_type3A_384, %broadcast_in_dim3A_388 : vector<2048x4xi1>, vector<2048x4xi32>
      %jit3A_390 = arith.constant 0 : i32
      %jit3A_391 = arith.constant 4095 : i32
      %max3A = vector.broadcast %jit3A_390 : i32 to vector<2048x4xi32>
      %max3A_392 = arith.maxsi %max3A, %select_n3A_389 : vector<2048x4xi32>
      %min3A = vector.broadcast %jit3A_391 : i32 to vector<2048x4xi32>
      %min3A_393 = arith.minsi %min3A, %max3A_392 : vector<2048x4xi32>
      %swap3A_394 = arith.constant 0 : index
      %swap3A_395 = arith.constant 0 : index
      %swap3A_396 = vector.load %arg6[%swap3A_394, %swap3A_395] : memref<2048x4xi32, #tpu.memory_space<vmem>>, vector<2048x4xi32>
      tpu.vector_store %arg6[%swap3A_394, %swap3A_395], %min3A_393 {strides = array<i32>} : memref<2048x4xi32, #tpu.memory_space<vmem>>, vector<2048x4xi32>,
      %swap3A_397 = arith.constant 0 : index
      %swap3A_398 = arith.constant 0 : index
      %swap3A_399 = vector.load %arg7[%swap3A_397, %swap3A_398] : memref<2048x4xf32, #tpu.memory_space<vmem>>, vector<2048x4xf32>
      tpu.vector_store %arg7[%swap3A_397, %swap3A_398], %concatenate3A_378 {strides = array<i32>} : memref<2048x4xf32, #tpu.memory_space<vmem>>, vector<2048x4xf32>,
    } else {
    }
    return
  }
  func.func @transform_0(%arg0: i32) -> (i32, i32) {
    %c0_i32 = arith.constant 0 : i32
    %c0_i32_0 = arith.constant 0 : i32
    %c0_i32_1 = arith.constant 0 : i32
    return %c0_i32, %c0_i32_0 : i32, i32
  }
  func.func @transform_1(%arg0: i32) -> (i32, i32) {
    %c0_i32 = arith.constant 0 : i32
    %c0_i32_0 = arith.constant 0 : i32
    %c0_i32_1 = arith.constant 0 : i32
    return %c0_i32, %c0_i32_0 : i32, i32
  }
  func.func @transform_2(%arg0: i32) -> (i32, i32, i32) {
    %c0_i32 = arith.constant 0 : i32
    %c0_i32_0 = arith.constant 0 : i32
    %c0_i32_1 = arith.constant 0 : i32
    return %arg0, %c0_i32, %c0_i32_0 : i32, i32, i32
  }
  func.func @transform_3(%arg0: i32) -> (i32, i32) {
    %c0_i32 = arith.constant 0 : i32
    %c0_i32_0 = arith.constant 0 : i32
    %c0_i32_1 = arith.constant 0 : i32
    return %c0_i32, %c0_i32_0 : i32, i32
  }
  func.func @transform_4(%arg0: i32) -> (i32, i32) {
    %c0_i32 = arith.constant 0 : i32
    %c0_i32_0 = arith.constant 0 : i32
    %c0_i32_1 = arith.constant 0 : i32
    return %c0_i32, %c0_i32_0 : i32, i32
  }
  func.func @transform_5(%arg0: i32) -> (i32, i32) {
    %c0_i32 = arith.constant 0 : i32
    %c0_i32_0 = arith.constant 0 : i32
    %c0_i32_1 = arith.constant 0 : i32
    return %c0_i32, %c0_i32_0 : i32, i32
  }
  func.func @transform_6(%arg0: i32) -> (i32, i32) {
    %c0_i32 = arith.constant 0 : i32
    %c0_i32_0 = arith.constant 0 : i32
    %c0_i32_1 = arith.constant 0 : i32
    return %c0_i32, %c0_i32_0 : i32, i32
  }
  func.func @transform_7(%arg0: i32) -> (i32, i32) {
    %c0_i32 = arith.constant 0 : i32
    %c0_i32_0 = arith.constant 0 : i32
    %c0_i32_1 = arith.constant 0 : i32
    return %c0_i32, %c0_i32_0 : i32, i32
  }
}

module attributes {stable_mosaic.version = 14 : i64} {
  func.func @_ffn_body(%arg0: i32, %arg1: memref<64x768xf32, #tpu.memory_space<vmem>>, %arg2: memref<1x768x768xf32, #tpu.memory_space<vmem>>, %arg3: memref<1x768x768xf32, #tpu.memory_space<vmem>>, %arg4: memref<64x768xbf16, #tpu.memory_space<vmem>>) attributes {dimension_semantics = [#tpu.dimension_semantics<arbitrary>], iteration_bounds = array<i64: 64>, scalar_prefetch = 0 : i64, scratch_operands = 0 : i64, tpu.core_type = #tpu.core_type<tc>, window_params = [{transform_indices = @transform_0, window_bounds = array<i64: 64, 768>}, {transform_indices = @transform_1, window_bounds = array<i64: 1, 768, 768>}, {transform_indices = @transform_2, window_bounds = array<i64: 1, 768, 768>}, {transform_indices = @transform_3, window_bounds = array<i64: 64, 768>}]} {
    %get3A = arith.constant 0 : index
    %get3A_0 = arith.constant 0 : index
    %get3A_1 = vector.load %arg1[%get3A, %get3A_0] : memref<64x768xf32, #tpu.memory_space<vmem>>, vector<64x768xf32>
    %get3A_2 = arith.constant 0 : index
    %get3A_3 = arith.constant 0 : index
    %get3A_4 = arith.constant 0 : index
    %get3A_5 = vector.load %arg2[%get3A_2, %get3A_3, %get3A_4] : memref<1x768x768xf32, #tpu.memory_space<vmem>>, vector<1x768x768xf32>
    %get3A_6 = vector.shape_cast %get3A_5 : vector<1x768x768xf32> to vector<768x768xf32>
    %dot_general3A = arith.constant dense<0.000000e+00> : vector<64x768xf32>
    %dot_general3A_7 = tpu.matmul %get3A_1, %get3A_6, %dot_general3A {dimension_numbers = #tpu.dot_dimension_numbers<[1], [0], [0], [1], [0, 0, 1, 1], [], []>, transpose_lhs_hint = false} : vector<64x768xf32>, vector<768x768xf32>, vector<64x768xf32> -> vector<64x768xf32>
    %max3A = arith.constant 0.000000e+00 : f32
    %max3A_8 = vector.broadcast %max3A : f32 to vector<64x768xf32>
    %max3A_9 = arith.maximumf %dot_general3A_7, %max3A_8 : vector<64x768xf32>
    %get3A_10 = arith.constant 0 : index
    %get3A_11 = arith.constant 0 : index
    %get3A_12 = arith.constant 0 : index
    %get3A_13 = vector.load %arg3[%get3A_10, %get3A_11, %get3A_12] : memref<1x768x768xf32, #tpu.memory_space<vmem>>, vector<1x768x768xf32>
    %get3A_14 = vector.shape_cast %get3A_13 : vector<1x768x768xf32> to vector<768x768xf32>
    %dot_general3A_15 = arith.constant dense<0.000000e+00> : vector<64x768xf32>
    %dot_general3A_16 = tpu.matmul %max3A_9, %get3A_14, %dot_general3A_15 {dimension_numbers = #tpu.dot_dimension_numbers<[1], [0], [0], [1], [0, 0, 1, 1], [], []>, transpose_lhs_hint = false} : vector<64x768xf32>, vector<768x768xf32>, vector<64x768xf32> -> vector<64x768xf32>
    %convert_element_type3A = arith.truncf %dot_general3A_16 : vector<64x768xf32> to vector<64x768xbf16>
    %swap3A = arith.constant 0 : index
    %swap3A_17 = arith.constant 0 : index
    %swap3A_18 = vector.load %arg4[%swap3A, %swap3A_17] : memref<64x768xbf16, #tpu.memory_space<vmem>>, vector<64x768xbf16>
    tpu.vector_store %arg4[%swap3A, %swap3A_17], %convert_element_type3A {strides = array<i32>} : memref<64x768xbf16, #tpu.memory_space<vmem>>, vector<64x768xbf16>,
    return
  }
  func.func @transform_0(%arg0: i32) -> (i32, i32) {
    %c0_i32 = arith.constant 0 : i32
    %c0_i32_0 = arith.constant 0 : i32
    return %arg0, %c0_i32 : i32, i32
  }
  func.func @transform_1(%arg0: i32) -> (i32, i32, i32) {
    %c0_i32 = arith.constant 0 : i32
    %c0_i32_0 = arith.constant 0 : i32
    %c0_i32_1 = arith.constant 0 : i32
    return %arg0, %c0_i32, %c0_i32_0 : i32, i32, i32
  }
  func.func @transform_2(%arg0: i32) -> (i32, i32, i32) {
    %c0_i32 = arith.constant 0 : i32
    %c0_i32_0 = arith.constant 0 : i32
    %c0_i32_1 = arith.constant 0 : i32
    return %arg0, %c0_i32, %c0_i32_0 : i32, i32, i32
  }
  func.func @transform_3(%arg0: i32) -> (i32, i32) {
    %c0_i32 = arith.constant 0 : i32
    %c0_i32_0 = arith.constant 0 : i32
    return %arg0, %c0_i32 : i32, i32
  }
}

module attributes {stable_mosaic.version = 14 : i64} {
  func.func @_combine_body(%arg0: i32, %arg1: memref<256x4xi32, #tpu.memory_space<vmem>>, %arg2: memref<256x4xf32, #tpu.memory_space<vmem>>, %arg3: memref<4096x768xbf16, #tpu.memory_space<vmem>>, %arg4: memref<256x768xf32, #tpu.memory_space<vmem>>) attributes {dimension_semantics = [#tpu.dimension_semantics<arbitrary>], iteration_bounds = array<i64: 8>, scalar_prefetch = 0 : i64, scratch_operands = 0 : i64, tpu.core_type = #tpu.core_type<tc>, window_params = [{transform_indices = @transform_0, window_bounds = array<i64: 256, 4>}, {transform_indices = @transform_1, window_bounds = array<i64: 256, 4>}, {pipeline_mode = #tpu.pipeline_mode<synchronous>, transform_indices = @transform_2, window_bounds = array<i64: 4096, 768>}, {transform_indices = @transform_3, window_bounds = array<i64: 256, 768>}]} {
    %get3A = arith.constant 0 : index
    %get3A_0 = arith.constant 0 : index
    %get3A_1 = vector.load %arg1[%get3A, %get3A_0] : memref<256x4xi32, #tpu.memory_space<vmem>>, vector<256x4xi32>
    %get3A_2 = arith.constant 0 : index
    %get3A_3 = arith.constant 0 : index
    %get3A_4 = vector.load %arg2[%get3A_2, %get3A_3] : memref<256x4xf32, #tpu.memory_space<vmem>>, vector<256x4xf32>
    %iota3A = tpu.iota {dimensions = array<i32: 1>} : vector<256x4096xi32>
    %slice3A = vector.extract_strided_slice %get3A_1 {offsets = [0, 0], sizes = [256, 1], strides = [1, 1]} : vector<256x4xi32> to vector<256x1xi32>
    %eq3A = vector.broadcast %slice3A : vector<256x1xi32> to vector<256x4096xi32>
    %eq3A_5 = arith.cmpi eq, %iota3A, %eq3A : vector<256x4096xi32>
    %slice3A_6 = vector.extract_strided_slice %get3A_4 {offsets = [0, 0], sizes = [256, 1], strides = [1, 1]} : vector<256x4xf32> to vector<256x1xf32>
    %jit3A = arith.constant 0.000000e+00 : f32
    %broadcast_in_dim3A = vector.shape_cast %slice3A_6 : vector<256x1xf32> to vector<256x1xf32>
    %broadcast_in_dim3A_7 = vector.broadcast %broadcast_in_dim3A : vector<256x1xf32> to vector<256x4096xf32>
    %broadcast_in_dim3A_8 = vector.broadcast %jit3A : f32 to vector<256x4096xf32>
    %select_n3A = arith.select %eq3A_5, %broadcast_in_dim3A_7, %broadcast_in_dim3A_8 : vector<256x4096xi1>, vector<256x4096xf32>
    %slice3A_9 = vector.extract_strided_slice %get3A_1 {offsets = [0, 1], sizes = [256, 1], strides = [1, 1]} : vector<256x4xi32> to vector<256x1xi32>
    %eq3A_10 = vector.broadcast %slice3A_9 : vector<256x1xi32> to vector<256x4096xi32>
    %eq3A_11 = arith.cmpi eq, %iota3A, %eq3A_10 : vector<256x4096xi32>
    %slice3A_12 = vector.extract_strided_slice %get3A_4 {offsets = [0, 1], sizes = [256, 1], strides = [1, 1]} : vector<256x4xf32> to vector<256x1xf32>
    %jit3A_13 = arith.constant 0.000000e+00 : f32
    %broadcast_in_dim3A_14 = vector.shape_cast %slice3A_12 : vector<256x1xf32> to vector<256x1xf32>
    %broadcast_in_dim3A_15 = vector.broadcast %broadcast_in_dim3A_14 : vector<256x1xf32> to vector<256x4096xf32>
    %broadcast_in_dim3A_16 = vector.broadcast %jit3A_13 : f32 to vector<256x4096xf32>
    %select_n3A_17 = arith.select %eq3A_11, %broadcast_in_dim3A_15, %broadcast_in_dim3A_16 : vector<256x4096xi1>, vector<256x4096xf32>
    %add3A = arith.addf %select_n3A, %select_n3A_17 : vector<256x4096xf32>
    %slice3A_18 = vector.extract_strided_slice %get3A_1 {offsets = [0, 2], sizes = [256, 1], strides = [1, 1]} : vector<256x4xi32> to vector<256x1xi32>
    %eq3A_19 = vector.broadcast %slice3A_18 : vector<256x1xi32> to vector<256x4096xi32>
    %eq3A_20 = arith.cmpi eq, %iota3A, %eq3A_19 : vector<256x4096xi32>
    %slice3A_21 = vector.extract_strided_slice %get3A_4 {offsets = [0, 2], sizes = [256, 1], strides = [1, 1]} : vector<256x4xf32> to vector<256x1xf32>
    %jit3A_22 = arith.constant 0.000000e+00 : f32
    %broadcast_in_dim3A_23 = vector.shape_cast %slice3A_21 : vector<256x1xf32> to vector<256x1xf32>
    %broadcast_in_dim3A_24 = vector.broadcast %broadcast_in_dim3A_23 : vector<256x1xf32> to vector<256x4096xf32>
    %broadcast_in_dim3A_25 = vector.broadcast %jit3A_22 : f32 to vector<256x4096xf32>
    %select_n3A_26 = arith.select %eq3A_20, %broadcast_in_dim3A_24, %broadcast_in_dim3A_25 : vector<256x4096xi1>, vector<256x4096xf32>
    %add3A_27 = arith.addf %add3A, %select_n3A_26 : vector<256x4096xf32>
    %slice3A_28 = vector.extract_strided_slice %get3A_1 {offsets = [0, 3], sizes = [256, 1], strides = [1, 1]} : vector<256x4xi32> to vector<256x1xi32>
    %eq3A_29 = vector.broadcast %slice3A_28 : vector<256x1xi32> to vector<256x4096xi32>
    %eq3A_30 = arith.cmpi eq, %iota3A, %eq3A_29 : vector<256x4096xi32>
    %slice3A_31 = vector.extract_strided_slice %get3A_4 {offsets = [0, 3], sizes = [256, 1], strides = [1, 1]} : vector<256x4xf32> to vector<256x1xf32>
    %jit3A_32 = arith.constant 0.000000e+00 : f32
    %broadcast_in_dim3A_33 = vector.shape_cast %slice3A_31 : vector<256x1xf32> to vector<256x1xf32>
    %broadcast_in_dim3A_34 = vector.broadcast %broadcast_in_dim3A_33 : vector<256x1xf32> to vector<256x4096xf32>
    %broadcast_in_dim3A_35 = vector.broadcast %jit3A_32 : f32 to vector<256x4096xf32>
    %select_n3A_36 = arith.select %eq3A_30, %broadcast_in_dim3A_34, %broadcast_in_dim3A_35 : vector<256x4096xi1>, vector<256x4096xf32>
    %add3A_37 = arith.addf %add3A_27, %select_n3A_36 : vector<256x4096xf32>
    %convert_element_type3A = arith.truncf %add3A_37 : vector<256x4096xf32> to vector<256x4096xbf16>
    %get3A_38 = arith.constant 0 : index
    %get3A_39 = arith.constant 0 : index
    %get3A_40 = vector.load %arg3[%get3A_38, %get3A_39] : memref<4096x768xbf16, #tpu.memory_space<vmem>>, vector<4096x768xbf16>
    %dot_general3A = arith.constant dense<0.000000e+00> : vector<256x768xf32>
    %dot_general3A_41 = tpu.matmul %convert_element_type3A, %get3A_40, %dot_general3A {dimension_numbers = #tpu.dot_dimension_numbers<[1], [0], [0], [1], [0, 0, 1, 1], [], []>, transpose_lhs_hint = false} : vector<256x4096xbf16>, vector<4096x768xbf16>, vector<256x768xf32> -> vector<256x768xf32>
    %swap3A = arith.constant 0 : index
    %swap3A_42 = arith.constant 0 : index
    %swap3A_43 = vector.load %arg4[%swap3A, %swap3A_42] : memref<256x768xf32, #tpu.memory_space<vmem>>, vector<256x768xf32>
    tpu.vector_store %arg4[%swap3A, %swap3A_42], %dot_general3A_41 {strides = array<i32>} : memref<256x768xf32, #tpu.memory_space<vmem>>, vector<256x768xf32>,
    return
  }
  func.func @transform_0(%arg0: i32) -> (i32, i32) {
    %c0_i32 = arith.constant 0 : i32
    %c0_i32_0 = arith.constant 0 : i32
    return %arg0, %c0_i32 : i32, i32
  }
  func.func @transform_1(%arg0: i32) -> (i32, i32) {
    %c0_i32 = arith.constant 0 : i32
    %c0_i32_0 = arith.constant 0 : i32
    return %arg0, %c0_i32 : i32, i32
  }
  func.func @transform_2(%arg0: i32) -> (i32, i32) {
    %c0_i32 = arith.constant 0 : i32
    %c0_i32_0 = arith.constant 0 : i32
    %c0_i32_1 = arith.constant 0 : i32
    return %c0_i32, %c0_i32_0 : i32, i32
  }
  func.func @transform_3(%arg0: i32) -> (i32, i32) {
    %c0_i32 = arith.constant 0 : i32
    %c0_i32_0 = arith.constant 0 : i32
    return %arg0, %c0_i32 : i32, i32
  }
}

</mosaic_0001>

<sc_bundles>
// kernel: kernel.7.cloned.1.call-start
scs
__scs_entry_jumppad:
0x0: {  	(pc) =	sbr.rel $0x88, $3  }
0x1: {  	(tag) =	ssettag $0x0;
	lr =	simm.s32 $0x1  }
0x2: {  	[smem:$0x3F9C] =	sst lr;
	_ =	strace $0xD0000000  }
0x3: {  	_ = 	snop  }
0x4: {  	_ = 	snop  }
0x5: {  	_ = 	snop  }
0x6: {  	_ = 	snop  }
0x7: {  	_ = 	snop  }
__scs_overlays_trampoline_lowered:
0x8: {  	[smem:$0x3FAB] =	sst s0  }
0x9: {  	[smem:$0x3FAC] =	sst s1  }
0xa: {  	[smem:$0x3FAD] =	sst s2  }
0xb: {  	[smem:$0x3FAE] =	sst s3  }
0xc: {  	[smem:$0x3FAF] =	sst s4  }
0xd: {  	[smem:$0x3FB0] =	sst s5  }
0xe: {  	[smem:$0x3FB1] =	sst s6  }
0xf: {  	[smem:$0x3FB2] =	sst s7  }
0x10: {  	[smem:$0x3FB3] =	sst s8  }
0x11: {  	[smem:$0x3FB4] =	sst s9;
	s0 =	simm.s32 @!p0 $0x0  }
0x12: {  	s1 =	sld [smem:$0x3F9A];
	s0 =	simm.s32 @p0 $0x1  }
0x13: {  	[smem:$0x3FB5] =	sst s0;
	s0 =	simm.s32 @!p1 $0x0  }
0x14: {  	s2 =	sld [smem:$0x3F99];
	s0 =	simm.s32 @p1 $0x1  }
0x15: {  	[smem:$0x3FB6] =	sst s0;
	s0 =	simm.s32 @!p2 $0x0  }
0x16: {  	s3 =	sld [smem:$0x3FDB];
	s0 =	simm.s32 @p2 $0x1  }
0x17: {  	s4 =	simm.s32 $0x1BF5;
	[smem:$0x3FB8] =	sst s0  }
0x18: {  	s0 =	sld [smem:$0x3F9B];
	_ =	swait.ge [sflag:s4], $0x0  }
0x19: {  	s7 =	sld [smem:$0x3F9C]  }
0x1a: {  	s8 =	sadd.s32 $0xFFFFE003, lr  }
0x1b: {  	s9 =	sadd.s32 $0xFFFFFEF7, lr;
	s5 =	simm.s32 $0xFFFFFFFF;
	p2 =	slt.u32 s8, $0xFFFFF086  }
0x1c: {  	p1 =	slt.u32 s9, $0xF7A;
	s5 =	simm.s32 @!p2 $0x0  }
0x1d: {  	s5 =	simm.s32 @p1 $0x1;
	p0 =	seq.s32 s7, s2  }
0x1e: {  	s7 =	smul.u32 @!p0 $0xF7A, s2;
	p2 =	seq.s32 @!p0 s5, $0x0  }
0x1f: {  	s9 =	smul.u32 $0xF7A, s1;
	s8 =	simm.s32 @!p0 $0x1BF5;
	p2 =	por !p2, p0  }
0x20: {  	[sflag:s8] =	ssyncset.s32 @!p0 $0xFFFFF086;
	s6 =	sadd.s32 @!p0 s3, s7;
	s7 =	simm.s32 @!p0 $0x108  }
0x21: {  	s3 =	sadd.s32 s3, s9;
	s6 =	sadd.s32 @!p0 $0x88, s6;
	s7 =	simm.s32 @p2 $0x1082  }
0x22: {  	[simem:s7], [sflag:s8] =	dma.local @!p0 [hbm:s6], $0xF7A  }
0x23: {  	s9 =	sor.u32 $0xD0000000, s2;
	s6 =	simm.s32 $0x108;
	_ =	swait.ge @!p0 [sflag:s8], $0x0  }
0x24: {  	s3 =	sadd.s32 $0x88, s3;
	s6 =	simm.s32 @!p1 $0x1082;
	[sflag:s4] =	ssyncset.s32 $0xFFFFF086  }
0x25: {  	[simem:s6], [sflag:s4] =	dma.local [hbm:s3], $0xF7A  }
0x26: {  	[smem:$0x3F9C] =	sst s1;
	(tag) =	ssettag s2;
	_ =	strace s9  }
0x27: {  	s1 =	sld [smem:$0x3FAC]  }
0x28: {  	s2 =	sld [smem:$0x3FAD]  }
0x29: {  	s4 =	sld [smem:$0x3FAF]  }
0x2a: {  	p0 =	seq.s32 s5, $0x0;
	s5 =	sld [smem:$0x3FB0]  }
0x2b: {  	s6 =	sld [smem:$0x3FB1]  }
0x2c: {  	s7 =	sld [smem:$0x3FB2]  }
0x2d: {  	s3 =	simm.s32 $0x108;
	s8 =	sld [smem:$0x3FB3]  }
0x2e: {  	s3 =	simm.s32 @!p0 $0x1082;
	s9 =	sld [smem:$0x3FB4]  }
0x2f: {  	lr =	sadd.s32 s0, s3;
	s0 =	sld [smem:$0x3FAB]  }
0x30: {  	s3 =	sld [smem:$0x3FAE]  }
0x31: {  	[smem:$0x3FB7] =	sst s10  }
0x32: {  	s10 =	sld [smem:$0x3FB5];
	_ =	sdelay $0x3  }
0x33: {  	p0 =	seq.s32 s10, $0x1;
	s10 =	sld [smem:$0x3FB7];
	_ =	sdelay $0x3  }
0x34: {  	[smem:$0x3FB7] =	sst s10  }
0x35: {  	s10 =	sld [smem:$0x3FB6];
	_ =	sdelay $0x3  }
0x36: {  	p1 =	seq.s32 s10, $0x1;
	s10 =	sld [smem:$0x3FB7];
	_ =	sdelay $0x3  }
0x37: {  	[smem:$0x3FB7] =	sst s10  }
0x38: {  	s10 =	sld [smem:$0x3FB8]  }
0x39: {  	_ = 	snop;
	(pc) =	sbr.ind lr, $3  }
0x3a: {  	_ = 	snop  }
0x3b: {  	_ = 	snop  }
0x3c: {  	p2 =	seq.s32 s10, $0x1;
	s10 =	sld [smem:$0x3FB7]  }
0x3d: {  	_ =	shalt  }
0x3e: {  	_ =	shalt  }
0x3f: {  	_ =	shalt  }
0x40: {  	_ =	shalt  }
0x41: {  	_ =	shalt  }
0x42: {  	_ =	shalt  }
0x43: {  	_ =	shalt  }
0x44: {  	_ =	shalt  }
0x45: {  	_ =	shalt  }
0x46: {  	_ =	shalt  }
0x47: {  	_ =	shalt  }
0x48: {  	_ =	shalt  }
0x49: {  	_ =	shalt  }
0x4a: {  	_ =	shalt  }
0x4b: {  	_ =	shalt  }
0x4c: {  	_ =	shalt  }
0x4d: {  	_ =	shalt  }
0x4e: {  	_ =	shalt  }
0x4f: {  	_ =	shalt  }
0x50: {  	_ =	shalt  }
0x51: {  	_ =	shalt  }
0x52: {  	_ =	shalt  }
0x53: {  	_ =	shalt  }
0x54: {  	_ =	shalt  }
0x55: {  	_ =	shalt  }
0x56: {  	_ =	shalt  }
0x57: {  	_ =	shalt  }
0x58: {  	_ =	shalt  }
0x59: {  	_ =	shalt  }
0x5a: {  	_ =	shalt  }
0x5b: {  	_ =	shalt  }
0x5c: {  	_ =	shalt  }
0x5d: {  	_ =	shalt  }
0x5e: {  	_ =	shalt  }
0x5f: {  	_ =	shalt  }
0x60: {  	_ =	shalt  }
0x61: {  	_ =	shalt  }
0x62: {  	_ =	shalt  }
0x63: {  	_ =	shalt  }
0x64: {  	_ =	shalt  }
0x65: {  	_ =	shalt  }
0x66: {  	_ =	shalt  }
0x67: {  	_ =	shalt  }
0x68: {  	_ =	shalt  }
0x69: {  	_ =	shalt  }
0x6a: {  	_ =	shalt  }
0x6b: {  	_ =	shalt  }
0x6c: {  	_ =	shalt  }
0x6d: {  	_ =	shalt  }
0x6e: {  	_ =	shalt  }
0x6f: {  	_ =	shalt  }
0x70: {  	_ =	shalt  }
0x71: {  	_ =	shalt  }
0x72: {  	_ =	shalt  }
0x73: {  	_ =	shalt  }
0x74: {  	_ =	shalt  }
0x75: {  	_ =	shalt  }
0x76: {  	_ =	shalt  }
0x77: {  	_ =	shalt  }
0x78: {  	_ =	shalt  }
0x79: {  	_ =	shalt  }
0x7a: {  	_ =	shalt  }
0x7b: {  	_ =	shalt  }
0x7c: {  	_ =	shalt  }
0x7d: {  	_ =	shalt  }
0x7e: {  	_ =	shalt  }
0x7f: {  	_ =	shalt  }
0x80: {  	_ =	shalt  }
0x81: {  	_ =	shalt  }
0x82: {  	_ =	shalt  }
0x83: {  	_ =	shalt  }
0x84: {  	_ =	shalt  }
0x85: {  	_ =	shalt  }
0x86: {  	_ =	shalt  }
0x87: {  	_ =	shalt  }
.Lfunc_end0:
.L_simem_size_0:
called_computation_lowered:
.L_overlay_start_0:
0x88: {  	s2 =	sld [smem:$0x3FD9]  }
0x89: {  	s3 =	sld [smem:$0x3FFE];
	_ =	sdelay $0x1  }
0x8a: {  	s1 =	srdreg.scid  }
0x8b: {  	s0 =	sand.u32 $0x1, s1  }
0x8c: {  	s14 =	sshll.u32 s0, $0xA;
	s2 =	sadd.s32 s3, s2  }
0x8d: {  	s2 =	sadd.s32 s2, s14  }
0x8e: {  	[smem:$0x3FC3] =	sst s2  }
0x8f: {  	_ = 	snop  }
0x90: {  	s2 =	sld [smem:$0x3FD0];
	_ =	sdelay $0x2  }
0x91: {  	s15 =	simm.s32 $0xA;
	s4 =	simm.s32 $0x10  }
0x92: {  	[smem:s4], [sflag:s15] =	dma.local [hbm:s2], $0x1  }
0x93: {  	_ =	swait.eq [sflag:s15], $0x1  }
0x94: {  	[sflag:s15] =	ssyncset.done $0x0  }
0x95: {  	[sflag:s15] =	ssyncadd.s32 $0xFFFFFFFF  }
0x96: {  	s16 =	sld [smem:$0x10];
	(tm) =	ssettm $0x1  }
0x97: {  	s17 =	sld [smem:$0x3FFB];
	_ =	sdelay $0x3  }
0x98: {  	_ =	strace s17  }
0x99: {  	s3 =	sld [smem:$0x3FFC];
	_ =	sdelay $0x3  }
0x9a: {  	_ =	strace s3  }
0x9b: {  	s3 =	sld [smem:$0x3FFD];
	_ =	sdelay $0x3  }
0x9c: {  	_ =	strace s3  }
0x9d: {  	_ =	strace $0x8FFFFFFF  }
0x9e: {  	s18 =	sld [smem:$0x3FDB];
	_ =	sdelay $0x1  }
0x9f: {  	s19 =	simm.s32 $_scs_section_size  }
0xa0: {  	s5 =	simm.s32 $_size__tile_overlayer_lowered;
	s6 =	simm.s32 $_tile_overlayer_lowered  }
0xa1: {  	s22 =	simm.s32 $0x1BFF;
	s21 =	sshll.u32 s6, $0x1;
	s3 =	sadd.s32 s19, s18  }
0xa2: {  	s7 =	simm.s32 $0x0;
	s20 =	sshll.u32 s5, $0x1;
	s5 =	sadd.s32 s21, s3  }
0xa3: {  	[timem:s7], [sflag:s22] =	dma.local [hbm:s5], s20  }
0xa4: {  	_ =	swait.ge [sflag:s22], s20  }
0xa5: {  	s4 =	ssub.s32 $0x0, s20;
	[sflag:s22] =	ssyncset.done $0x0  }
0xa6: {  	[sflag:s22] =	ssyncadd.s32 s4;
	_ =	sdelay $0x1  }
0xa7: {  	s23 =	simm.s32 $0x1B8B  }
0xa8: {  	_ =	swait.ge [sflag:s23], $0x1  }
0xa9: {  	[sflag:s23] =	ssyncset.done $0x0  }
0xaa: {  	s25 =	simm.s32 $0x1B8E;
	s24 =	sld [smem:$0x3FFE];
	[sflag:s23] =	ssyncadd.s32 $0xFFFFFFFF  }
0xab: {  	s26 =	simm.s32 $execute0_lowered;
	[smem:$0x3FD2] =	sst s25  }
0xac: {  	s5 =	sshll.u32 s26, $0x1;
	_ =	strace $0x80000046;
	[dreg:$0x1] =	wrdreg $0xFFFFFFFF  }
0xad: {  	s28 =	simm.s32 $_size_execute0_lowered;
	s3 =	sadd.s32 s3, s5;
	[dreg:$0x0] =	wrdreg $0x0  }
0xae: {  	s5 =	sshll.u32 s28, $0x1;
	[dreg:$0x2] =	wrdreg s3  }
0xaf: {  	[dreg:$0x3] =	wrdreg s5  }
0xb0: {  	[dreg:$0x4] =	wrdreg $0xC0  }
0xb1: {  	_ =	task [dreg:s7], $0x5FFFF  }
0xb2: {  	[dreg:$0x1] =	wrdreg $0xFFFFFFFF  }
0xb3: {  	[dreg:$0x0] =	wrdreg $0x60  }
0xb4: {  	[dreg:$0x2] =	wrdreg s24  }
0xb5: {  	[dreg:$0x3] =	wrdreg s16  }
0xb6: {  	[dreg:$0x4] =	wrdreg $0x9  }
0xb7: {  	_ =	task.clear_ibuf [dreg:s7], $0x5FFFF;
	_ =	strace $0x90000046  }
0xb8: {  	s29 =	simm.s32 $0x9;
	_ =	strace $0x80000048  }
0xb9: {  	_ =	swait.ge [sflag:s29], $0x1  }
0xba: {  	[sflag:s29] =	ssyncadd.s32 $0xFFFFFFFF  }
0xbb: {  	_ =	strace $0x90000048  }
0xbc: {  	_ =	sfence  }
0xbd: {  	s30 =	sld [smem:$0x0];
	_ =	sdelay $0x2  }
0xbe: {  	s31 =	sshll.u32 s1, $0xD;
	s1 =	sshrl.u32 s1, $0x2  }
0xbf: {  	s3 =	sand.u32 $0x4000, s31;
	s1 =	sadd.s32 s1, s30  }
0xc0: {  	s0 =	sor.u32 s3, s0;
	s1 =	sshll.u32 s1, $0x11  }
0xc1: {  	s0 =	sor.u32 s1, s0  }
0xc2: {  	s0 =	sadd.s32 $0x8F2B, s0  }
0xc3: {  	[sflag:s0] =	ssyncadd.remote.s32 $0x1  }
0xc4: {  	_ =	sfence.sel $0xFFFF  }
0xc5: {  	[dreg:$0x0] =	wrdreg $0xFFFFFFFF;
	(pc) =	sbr.abs _section_cstart, $3  }
0xc6: {  	[dreg:$0x1] =	wrdreg $0xFFFFFFFF  }
0xc7: {  	_ =	task.clear_ibuf [dreg:s7], $0x2FFFF;
	_ =	strace $0x9FFFFFFF  }
0xc8: {  	(tm) =	ssettm $0x7FFFFFFF  }
0xc9: {  	_ =	shalt  }
tec
execute0_lowered:
.L_overlay_start_1:
0x0: {  	(tag) =	ssettag $0x1  }
0x1: {  	s1 =	rddreg [dreg:$0x0];
	s2 =	srdreg.scid  }
0x2: {  	s3 =	rddreg [dreg:$0x1];
	s4 =	sand.u32 $0x1, s2;
	s2 =	simm.s32 $0x0  }
0x3: {  	s21 =	simm.s32 $0x900;
	[smem:$0x7FF] =	sst s2  }
0x4: {  	s22 =	simm.s32 $0x1100;
	_ =	strace $0x80000047;
	[dreg:$0x6] =	wrdreg s21  }
0x5: {  	s23 =	simm.s32 $0x1900;
	[dreg:$0x7] =	wrdreg s22  }
0x6: {  	s24 =	simm.s32 $0x2100;
	[dreg:$0x8] =	wrdreg s23  }
0x7: {  	s25 =	simm.s32 $0x2900;
	[dreg:$0x9] =	wrdreg s24  }
0x8: {  	s0 =	stileid.u32;
	s26 =	simm.s32 $0x3100;
	[dreg:$0xa] =	wrdreg s25  }
0x9: {  	s5 =	sshll.u32 s0, $0x1;
	s0 =	simm.s32 $0x3900;
	[dreg:$0xb] =	wrdreg s26  }
0xa: {  	s9 =	simm.s32 $0x6100;
	s10 =	simm.s32 $0x6900;
	[dreg:$0xc] =	wrdreg s0  }
0xb: {  	s11 =	simm.s32 $0x7100;
	s12 =	simm.s32 $0x7900;
	[dreg:$0x11] =	wrdreg s9  }
0xc: {  	s13 =	simm.s32 $0x8100;
	s14 =	simm.s32 $0x8900;
	[dreg:$0x12] =	wrdreg s10  }
0xd: {  	s15 =	simm.s32 $0x9100;
	s16 =	simm.s32 $0x9900;
	[dreg:$0x13] =	wrdreg s11  }
0xe: {  	s17 =	simm.s32 $0xA100;
	s28 =	simm.s32 $0x17100;
	[dreg:$0x14] =	wrdreg s12  }
0xf: {  	s29 =	simm.s32 $0x17900;
	s30 =	simm.s32 $0x2;
	[dreg:$0x15] =	wrdreg s13  }
0x10: {  	s31 =	simm.s32 $0x3;
	s8 =	sadd.s32 $0x39000, s1;
	[dreg:$0x16] =	wrdreg s14  }
0x11: {  	s5 =	sor.u32 s4, s5;
	s4 =	ssub.s32 $0x2, s4;
	[dreg:$0x17] =	wrdreg s15  }
0x12: {  	s6 =	smul.u32 $0x18000, s5;
	s7 =	sshll.u32 s5, $0x5;
	[dreg:$0x18] =	wrdreg s16  }
0x13: {  	s5 =	smul.u32 $0x3000, s5;
	[dreg:$0x19] =	wrdreg s17;
	s21 =	simm.s32 $0xB900  }
0x14: {  	s22 =	simm.s32 $0xC900;
	s23 =	simm.s32 $0xD100;
	s24 =	simm.s32 $0xD900  }
0x15: {  	s25 =	simm.s32 $0xE100;
	s26 =	simm.s32 $0xE900;
	[dreg:$0x1c] =	wrdreg s21  }
0x16: {  	s9 =	simm.s32 $0x1;
	s10 =	simm.s32 $0xC100;
	[dreg:$0x1d] =	wrdreg s22  }
0x17: {  	s12 =	simm.s32 $0xF900;
	s13 =	simm.s32 $0x10100;
	[dreg:$0x1e] =	wrdreg s23  }
0x18: {  	s14 =	simm.s32 $0x10900;
	s15 =	simm.s32 $0x11100;
	[dreg:$0x1f] =	wrdreg s24  }
0x19: {  	s16 =	simm.s32 $0x11900;
	s17 =	simm.s32 $0x12100;
	[smem:$0x7FC] =	sst s25  }
0x1a: {  	s3 =	sadd.s32 s3, s7;
	s7 =	simm.s32 $0x5100;
	[smem:$0x7FD] =	sst s26  }
0x1b: {  	s21 =	simm.s32 $0x14100;
	s22 =	simm.s32 $0x14900;
	s23 =	simm.s32 $0x15100  }
0x1c: {  	s24 =	simm.s32 $0x15900;
	s25 =	simm.s32 $0x16100;
	s26 =	simm.s32 $0x16900  }
0x1d: {  	s6 =	sshrl.u32 s6, $0x3;
	[dreg:$0x3] =	wrdreg s3;
	s18 =	sadd.s32 s8, s5  }
0x1e: {  	s5 =	simm.s32 $0x4100;
	[dreg:$0xf] =	wrdreg s7;
	s3 =	sadd.s32 $0x8C00, s1  }
0x1f: {  	s7 =	simm.s32 $0x5;
	s19 =	sadd.s32 s8, s6;
	[dreg:$0x4] =	wrdreg s18  }
0x20: {  	[dreg:$0xd] =	wrdreg s5;
	s6 =	simm.s32 $0x4900;
	s8 =	simm.s32 $0x5900  }
0x21: {  	s18 =	simm.s32 $0xA900;
	s5 =	sadd.s32 $0x8E00, s1;
	[dreg:$0xe] =	wrdreg s6  }
0x22: {  	s20 =	sadd.s32 $0x1800, s19;
	[dreg:$0x10] =	wrdreg s8;
	s19 =	sshrl.u32 s4, $0x1  }
0x23: {  	[dreg:$0x1a] =	wrdreg s18;
	s8 =	simm.s32 $0x100;
	s18 =	simm.s32 $0x12900  }
0x24: {  	v2 =	vlaneseq.u32;
	[dreg:$0x5] =	wrdreg s20;
	s20 =	simm.s32 $0xB100;
	s6 =	ssub.s32 s4, s19  }
0x25: {  	vm0 =	vmmov $0xffff;
	v1 =	vshrl.u32 v2, $0x3;
	s4 =	sadd.s32 $0x8D00, s1;
	s19 =	simm.s32 $0x13100;
	s1 =	simm.s32 $0x4  }
0x26: {  	v0 =	vand.u32 $0x7, v2;
	v2 =	vor.u32 $0x8, v2;
	v1 =	vmul.u32 $0x8, v1;
	[dreg:$0x1b] =	wrdreg s20;
	s6 =	smax.u32 s6, $0x1;
	s20 =	simm.s32 $0x13900  }
.LBB2_1:
0x27: {  	s0 =	rddreg [dreg:$0x3]  }
0x28: {  	[tilespmem:s2], [sflag:$0x5] =	stream.linear.gather [hbm4b:s0+s2], $0x100, $0x38;
	[tilespmem:$0x18100] =	vst v63  }
0x29: {  	_ =	swait.ge [sflag:s7], $0x100  }
0x2a: {  	[sflag:s7] =	ssyncset.done $0x0  }
0x2b: {  	[sflag:s7] =	ssyncadd.s32 $0xFFFFFF00  }
0x2c: {  	v3 =	vld [tilespmem:$0x0];
	_ =	sdelay $0x4  }
0x2d: {  	v4 =	vshrl.u32 v3, $0x3  }
0x2e: {  	v4 =	vmul.u32 $0x30, v4  }
0x2f: {  	v3 =	vand.u32 $0x7, v3  }
0x30: {  	v3 =	vor.u32 v3, v4  }
0x31: {  	v4 =	vperm.xlane v3, v0;
	_ =	sdelay $0x1  }
0x32: {  	v4 =	vadd.s32 v1, v4;
	_ =	sdelay $0x3  }
0x33: {  	v3 =	vperm.xlane v3, v2  }
0x34: {  	[tilespmem:s8], [sflag:$0x1] =	stream.indirect_vreg.gather [hbm4b:s3+s2], $0x80, v4, vm0, $0xb8;
	[tilespmem:$0x18100] =	vst v63  }
0x35: {  	s0 =	rddreg [dreg:$0x6];
	v3 =	vadd.s32 v1, v3  }
0x36: {  	[tilespmem:s0], [sflag:$0x1] =	stream.indirect_vreg.gather [hbm4b:s4+s2], $0x80, v4, vm0, $0xb8;
	[tilespmem:$0x18100] =	vst v63  }
0x37: {  	s11 =	rddreg [dreg:$0x7]  }
0x38: {  	[tilespmem:s11], [sflag:$0x1] =	stream.indirect_vreg.gather [hbm4b:s5+s2], $0x80, v4, vm0, $0xb8;
	[tilespmem:$0x18100] =	vst v63  }
0x39: {  	s0 =	rddreg [dreg:$0x8]  }
0x3a: {  	[tilespmem:s0], [sflag:$0x1] =	stream.indirect_vreg.gather [hbm4b:s3+s2], $0x80, v3, vm0, $0xb8;
	[tilespmem:$0x18100] =	vst v63  }
0x3b: {  	s11 =	rddreg [dreg:$0x9]  }
0x3c: {  	[tilespmem:s11], [sflag:$0x1] =	stream.indirect_vreg.gather [hbm4b:s4+s2], $0x80, v3, vm0, $0xb8;
	[tilespmem:$0x18100] =	vst v63  }
0x3d: {  	s0 =	rddreg [dreg:$0xa]  }
0x3e: {  	[tilespmem:s0], [sflag:$0x1] =	stream.indirect_vreg.gather [hbm4b:s5+s2], $0x80, v3, vm0, $0xb8;
	[tilespmem:$0x18100] =	vst v63  }
0x3f: {  	v3 =	vld [tilespmem:$0x10];
	_ =	sdelay $0x4  }
0x40: {  	v57 =	vshrl.u32 v3, $0x3  }
0x41: {  	v4 =	vmul.u32 $0x30, v57  }
0x42: {  	v3 =	vand.u32 $0x7, v3  }
0x43: {  	v3 =	vor.u32 v3, v4  }
0x44: {  	v4 =	vperm.xlane v3, v0;
	_ =	sdelay $0x1  }
0x45: {  	v4 =	vadd.s32 v1, v4;
	_ =	sdelay $0x3  }
0x46: {  	s0 =	rddreg [dreg:$0xb];
	v3 =	vperm.xlane v3, v2  }
0x47: {  	[tilespmem:s0], [sflag:$0x1] =	stream.indirect_vreg.gather [hbm4b:s3+s2], $0x80, v4, vm0, $0xb8;
	[tilespmem:$0x18100] =	vst v63  }
0x48: {  	s11 =	rddreg [dreg:$0xc];
	v3 =	vadd.s32 v1, v3  }
0x49: {  	[tilespmem:s11], [sflag:$0x1] =	stream.indirect_vreg.gather [hbm4b:s4+s2], $0x80, v4, vm0, $0xb8;
	[tilespmem:$0x18100] =	vst v63  }
0x4a: {  	s0 =	rddreg [dreg:$0xd]  }
0x4b: {  	[tilespmem:s0], [sflag:$0x1] =	stream.indirect_vreg.gather [hbm4b:s5+s2], $0x80, v4, vm0, $0xb8;
	[tilespmem:$0x18100] =	vst v63  }
0x4c: {  	s11 =	rddreg [dreg:$0xe]  }
0x4d: {  	[tilespmem:s11], [sflag:$0x1] =	stream.indirect_vreg.gather [hbm4b:s3+s2], $0x80, v3, vm0, $0xb8;
	[tilespmem:$0x18100] =	vst v63  }
0x4e: {  	s0 =	rddreg [dreg:$0xf]  }
0x4f: {  	[tilespmem:s0], [sflag:$0x1] =	stream.indirect_vreg.gather [hbm4b:s4+s2], $0x80, v3, vm0, $0xb8;
	[tilespmem:$0x18100] =	vst v63  }
0x50: {  	s11 =	rddreg [dreg:$0x10]  }
0x51: {  	[tilespmem:s11], [sflag:$0x1] =	stream.indirect_vreg.gather [hbm4b:s5+s2], $0x80, v3, vm0, $0xb8;
	[tilespmem:$0x18100] =	vst v63  }
0x52: {  	v3 =	vld [tilespmem:$0x20];
	_ =	sdelay $0x4  }
0x53: {  	v58 =	vshrl.u32 v3, $0x3  }
0x54: {  	v4 =	vmul.u32 $0x30, v58  }
0x55: {  	v3 =	vand.u32 $0x7, v3  }
0x56: {  	v3 =	vor.u32 v3, v4  }
0x57: {  	v4 =	vperm.xlane v3, v0;
	_ =	sdelay $0x1  }
0x58: {  	v4 =	vadd.s32 v1, v4;
	_ =	sdelay $0x3  }
0x59: {  	s0 =	rddreg [dreg:$0x11];
	v3 =	vperm.xlane v3, v2  }
0x5a: {  	[tilespmem:s0], [sflag:$0x1] =	stream.indirect_vreg.gather [hbm4b:s3+s2], $0x80, v4, vm0, $0xb8;
	[tilespmem:$0x18100] =	vst v63  }
0x5b: {  	s11 =	rddreg [dreg:$0x12];
	v3 =	vadd.s32 v1, v3  }
0x5c: {  	[tilespmem:s11], [sflag:$0x1] =	stream.indirect_vreg.gather [hbm4b:s4+s2], $0x80, v4, vm0, $0xb8;
	[tilespmem:$0x18100] =	vst v63  }
0x5d: {  	s0 =	rddreg [dreg:$0x13]  }
0x5e: {  	[tilespmem:s0], [sflag:$0x1] =	stream.indirect_vreg.gather [hbm4b:s5+s2], $0x80, v4, vm0, $0xb8;
	[tilespmem:$0x18100] =	vst v63  }
0x5f: {  	s11 =	rddreg [dreg:$0x14]  }
0x60: {  	[tilespmem:s11], [sflag:$0x1] =	stream.indirect_vreg.gather [hbm4b:s3+s2], $0x80, v3, vm0, $0xb8;
	[tilespmem:$0x18100] =	vst v63  }
0x61: {  	s0 =	rddreg [dreg:$0x15]  }
0x62: {  	[tilespmem:s0], [sflag:$0x1] =	stream.indirect_vreg.gather [hbm4b:s4+s2], $0x80, v3, vm0, $0xb8;
	[tilespmem:$0x18100] =	vst v63  }
0x63: {  	s11 =	rddreg [dreg:$0x16]  }
0x64: {  	[tilespmem:s11], [sflag:$0x1] =	stream.indirect_vreg.gather [hbm4b:s5+s2], $0x80, v3, vm0, $0xb8;
	[tilespmem:$0x18100] =	vst v63  }
0x65: {  	v3 =	vld [tilespmem:$0x30];
	_ =	sdelay $0x4  }
0x66: {  	v59 =	vshrl.u32 v3, $0x3  }
0x67: {  	v4 =	vmul.u32 $0x30, v59  }
0x68: {  	v3 =	vand.u32 $0x7, v3  }
0x69: {  	v3 =	vor.u32 v3, v4  }
0x6a: {  	v4 =	vperm.xlane v3, v0;
	_ =	sdelay $0x1  }
0x6b: {  	v4 =	vadd.s32 v1, v4;
	_ =	sdelay $0x3  }
0x6c: {  	s0 =	rddreg [dreg:$0x17];
	v3 =	vperm.xlane v3, v2  }
0x6d: {  	[tilespmem:s0], [sflag:$0x1] =	stream.indirect_vreg.gather [hbm4b:s3+s2], $0x80, v4, vm0, $0xb8;
	[tilespmem:$0x18100] =	vst v63  }
0x6e: {  	s11 =	rddreg [dreg:$0x18];
	v3 =	vadd.s32 v1, v3  }
0x6f: {  	[tilespmem:s11], [sflag:$0x1] =	stream.indirect_vreg.gather [hbm4b:s4+s2], $0x80, v4, vm0, $0xb8;
	[tilespmem:$0x18100] =	vst v63  }
0x70: {  	s0 =	rddreg [dreg:$0x19]  }
0x71: {  	[tilespmem:s0], [sflag:$0x1] =	stream.indirect_vreg.gather [hbm4b:s5+s2], $0x80, v4, vm0, $0xb8;
	[tilespmem:$0x18100] =	vst v63  }
0x72: {  	s11 =	rddreg [dreg:$0x1a]  }
0x73: {  	[tilespmem:s11], [sflag:$0x1] =	stream.indirect_vreg.gather [hbm4b:s3+s2], $0x80, v3, vm0, $0xb8;
	[tilespmem:$0x18100] =	vst v63  }
0x74: {  	s0 =	rddreg [dreg:$0x1b]  }
0x75: {  	[tilespmem:s0], [sflag:$0x1] =	stream.indirect_vreg.gather [hbm4b:s4+s2], $0x80, v3, vm0, $0xb8;
	[tilespmem:$0x18100] =	vst v63  }
0x76: {  	s11 =	rddreg [dreg:$0x1c]  }
0x77: {  	[tilespmem:s11], [sflag:$0x1] =	stream.indirect_vreg.gather [hbm4b:s5+s2], $0x80, v3, vm0, $0xb8;
	[tilespmem:$0x18100] =	vst v63  }
0x78: {  	_ =	swait.ge [sflag:s9], $0xC000  }
0x79: {  	[sflag:s9] =	ssyncset.done $0x0  }
0x7a: {  	[sflag:s9] =	ssyncadd.s32 $0xFFFF4000  }
0x7b: {  	v3 =	vld [tilespmem:$0x80];
	_ =	sdelay $0x4  }
0x7c: {  	v60 =	vshrl.u32 v3, $0x3  }
0x7d: {  	v4 =	vmul.u32 $0x30, v60  }
0x7e: {  	v3 =	vand.u32 $0x7, v3  }
0x7f: {  	v3 =	vor.u32 v3, v4  }
0x80: {  	v4 =	vperm.xlane v3, v0;
	_ =	sdelay $0x1  }
0x81: {  	v4 =	vadd.s32 v1, v4;
	_ =	sdelay $0x3  }
0x82: {  	s0 =	rddreg [dreg:$0x1d];
	v3 =	vperm.xlane v3, v2  }
0x83: {  	[tilespmem:s10], [sflag:$0x2] =	stream.indirect_vreg.gather [hbm4b:s3+s2], $0x80, v4, vm0, $0xb8;
	[tilespmem:$0x18100] =	vst v63  }
0x84: {  	s11 =	rddreg [dreg:$0x1e];
	v3 =	vadd.s32 v1, v3  }
0x85: {  	[tilespmem:s0], [sflag:$0x2] =	stream.indirect_vreg.gather [hbm4b:s4+s2], $0x80, v4, vm0, $0xb8;
	[tilespmem:$0x18100] =	vst v63  }
0x86: {  	s0 =	rddreg [dreg:$0x1f]  }
0x87: {  	[tilespmem:s11], [sflag:$0x2] =	stream.indirect_vreg.gather [hbm4b:s5+s2], $0x80, v4, vm0, $0xb8;
	[tilespmem:$0x18100] =	vst v63  }
0x88: {  	s11 =	sld [smem:$0x7FC]  }
0x89: {  	[tilespmem:s0], [sflag:$0x2] =	stream.indirect_vreg.gather [hbm4b:s3+s2], $0x80, v3, vm0, $0xb8;
	[tilespmem:$0x18100] =	vst v63  }
0x8a: {  	s0 =	sld [smem:$0x7FD]  }
0x8b: {  	[tilespmem:s11], [sflag:$0x2] =	stream.indirect_vreg.gather [hbm4b:s4+s2], $0x80, v3, vm0, $0xb8;
	[tilespmem:$0x18100] =	vst v63  }
0x8c: {  	_ = 	snop  }
0x8d: {  	[tilespmem:s0], [sflag:$0x2] =	stream.indirect_vreg.gather [hbm4b:s5+s2], $0x80, v3, vm0, $0xb8;
	[tilespmem:$0x18100] =	vst v63  }
0x8e: {  	v3 =	vld [tilespmem:$0x90];
	_ =	sdelay $0x4  }
0x8f: {  	v61 =	vshrl.u32 v3, $0x3  }
0x90: {  	v4 =	vmul.u32 $0x30, v61  }
0x91: {  	v3 =	vand.u32 $0x7, v3  }
0x92: {  	v3 =	vor.u32 v3, v4  }
0x93: {  	v4 =	vperm.xlane v3, v0;
	_ =	sdelay $0x1  }
0x94: {  	v4 =	vadd.s32 v1, v4;
	_ =	sdelay $0x3  }
0x95: {  	s11 =	simm.s32 $0xF100;
	v3 =	vperm.xlane v3, v2  }
0x96: {  	[tilespmem:s11], [sflag:$0x2] =	stream.indirect_vreg.gather [hbm4b:s3+s2], $0x80, v4, vm0, $0xb8;
	[tilespmem:$0x18100] =	vst v63  }
0x97: {  	v3 =	vadd.s32 v1, v3  }
0x98: {  	[tilespmem:s12], [sflag:$0x2] =	stream.indirect_vreg.gather [hbm4b:s4+s2], $0x80, v4, vm0, $0xb8;
	[tilespmem:$0x18100] =	vst v63  }
0x99: {  	_ = 	snop  }
0x9a: {  	[tilespmem:s13], [sflag:$0x2] =	stream.indirect_vreg.gather [hbm4b:s5+s2], $0x80, v4, vm0, $0xb8;
	[tilespmem:$0x18100] =	vst v63  }
0x9b: {  	_ = 	snop  }
0x9c: {  	[tilespmem:s14], [sflag:$0x2] =	stream.indirect_vreg.gather [hbm4b:s3+s2], $0x80, v3, vm0, $0xb8;
	[tilespmem:$0x18100] =	vst v63  }
0x9d: {  	_ = 	snop  }
0x9e: {  	[tilespmem:s15], [sflag:$0x2] =	stream.indirect_vreg.gather [hbm4b:s4+s2], $0x80, v3, vm0, $0xb8;
	[tilespmem:$0x18100] =	vst v63  }
0x9f: {  	_ = 	snop  }
0xa0: {  	[tilespmem:s16], [sflag:$0x2] =	stream.indirect_vreg.gather [hbm4b:s5+s2], $0x80, v3, vm0, $0xb8;
	[tilespmem:$0x18100] =	vst v63  }
0xa1: {  	v3 =	vld [tilespmem:$0xA0];
	_ =	sdelay $0x4  }
0xa2: {  	v62 =	vshrl.u32 v3, $0x3  }
0xa3: {  	v4 =	vmul.u32 $0x30, v62  }
0xa4: {  	v3 =	vand.u32 $0x7, v3  }
0xa5: {  	v3 =	vor.u32 v3, v4  }
0xa6: {  	v4 =	vperm.xlane v3, v0;
	_ =	sdelay $0x1  }
0xa7: {  	v4 =	vadd.s32 v1, v4;
	_ =	sdelay $0x3  }
0xa8: {  	v3 =	vperm.xlane v3, v2  }
0xa9: {  	[tilespmem:s17], [sflag:$0x2] =	stream.indirect_vreg.gather [hbm4b:s3+s2], $0x80, v4, vm0, $0xb8;
	[tilespmem:$0x18100] =	vst v63  }
0xaa: {  	v3 =	vadd.s32 v1, v3  }
0xab: {  	[tilespmem:s18], [sflag:$0x2] =	stream.indirect_vreg.gather [hbm4b:s4+s2], $0x80, v4, vm0, $0xb8;
	[tilespmem:$0x18100] =	vst v63  }
0xac: {  	_ = 	snop  }
0xad: {  	[tilespmem:s19], [sflag:$0x2] =	stream.indirect_vreg.gather [hbm4b:s5+s2], $0x80, v4, vm0, $0xb8;
	[tilespmem:$0x18100] =	vst v63  }
0xae: {  	_ = 	snop  }
0xaf: {  	[tilespmem:s20], [sflag:$0x2] =	stream.indirect_vreg.gather [hbm4b:s3+s2], $0x80, v3, vm0, $0xb8;
	[tilespmem:$0x18100] =	vst v63  }
0xb0: {  	_ = 	snop  }
0xb1: {  	[tilespmem:s21], [sflag:$0x2] =	stream.indirect_vreg.gather [hbm4b:s4+s2], $0x80, v3, vm0, $0xb8;
	[tilespmem:$0x18100] =	vst v63  }
0xb2: {  	_ = 	snop  }
0xb3: {  	[tilespmem:s22], [sflag:$0x2] =	stream.indirect_vreg.gather [hbm4b:s5+s2], $0x80, v3, vm0, $0xb8;
	[tilespmem:$0x18100] =	vst v63  }
0xb4: {  	v3 =	vld [tilespmem:$0xB0];
	_ =	sdelay $0x4  }
0xb5: {  	v63 =	vshrl.u32 v3, $0x3  }
0xb6: {  	v4 =	vmul.u32 $0x30, v63  }
0xb7: {  	v3 =	vand.u32 $0x7, v3  }
0xb8: {  	v3 =	vor.u32 v3, v4  }
0xb9: {  	v4 =	vperm.xlane v3, v0;
	_ =	sdelay $0x1  }
0xba: {  	v4 =	vadd.s32 v1, v4;
	_ =	sdelay $0x3  }
0xbb: {  	v3 =	vperm.xlane v3, v2  }
0xbc: {  	[tilespmem:s23], [sflag:$0x2] =	stream.indirect_vreg.gather [hbm4b:s3+s2], $0x80, v4, vm0, $0xb8;
	[tilespmem:$0x18100] =	vst v63  }
0xbd: {  	v3 =	vadd.s32 v1, v3  }
0xbe: {  	[tilespmem:s24], [sflag:$0x2] =	stream.indirect_vreg.gather [hbm4b:s4+s2], $0x80, v4, vm0, $0xb8;
	[tilespmem:$0x18100] =	vst v63  }
0xbf: {  	_ = 	snop  }
0xc0: {  	[tilespmem:s25], [sflag:$0x2] =	stream.indirect_vreg.gather [hbm4b:s5+s2], $0x80, v4, vm0, $0xb8;
	[tilespmem:$0x18100] =	vst v63  }
0xc1: {  	_ = 	snop  }
0xc2: {  	[tilespmem:s26], [sflag:$0x2] =	stream.indirect_vreg.gather [hbm4b:s3+s2], $0x80, v3, vm0, $0xb8;
	[tilespmem:$0x18100] =	vst v63  }
0xc3: {  	_ = 	snop  }
0xc4: {  	[tilespmem:s28], [sflag:$0x2] =	stream.indirect_vreg.gather [hbm4b:s4+s2], $0x80, v3, vm0, $0xb8;
	[tilespmem:$0x18100] =	vst v63  }
0xc5: {  	_ = 	snop  }
0xc6: {  	[tilespmem:s29], [sflag:$0x2] =	stream.indirect_vreg.gather [hbm4b:s5+s2], $0x80, v3, vm0, $0xb8;
	[tilespmem:$0x18100] =	vst v63  }
0xc7: {  	s11 =	rddreg [dreg:$0x4]  }
0xc8: {  	[hbm4b:s11+s2] =	stream.linear.scatter [tilespmem:s8], [sflag:$0x3], $0xC000, $0x38;
	[tilespmem:$0x18100] =	vst v63  }
0xc9: {  	_ =	swait.ge [sflag:s30], $0xC000  }
0xca: {  	[sflag:s30] =	ssyncset.done $0x0  }
0xcb: {  	s11 =	rddreg [dreg:$0x5];
	[sflag:s30] =	ssyncadd.s32 $0xFFFF4000  }
0xcc: {  	[hbm4b:s11+s2] =	stream.linear.scatter [tilespmem:s10], [sflag:$0x4], $0xC000, $0x38;
	[tilespmem:$0x18100] =	vst v63  }
0xcd: {  	p0 =	sne.s32 s6, $0x1;
	_ =	swait.ge [sflag:s31], $0xC000  }
.Ltmp0:
0xce: {  	[sflag:s31] =	ssyncset.done $0x0;
	(pc) =	sbr.rel @p0 .LBB2_1-.Ltmp0, $4  }
0xcf: {  	[sflag:s31] =	ssyncadd.s32 $0xFFFF4000  }
0xd0: {  	_ =	swait.ge [sflag:s1], $0xC000  }
0xd1: {  	[sflag:s1] =	ssyncset.done $0x0  }
0xd2: {  	s6 =	sadd.s32 $0xFFFFFFFF, s6;
	[sflag:s1] =	ssyncadd.s32 $0xFFFF4000  }
0xd3: {  	_ =	sfence.sel $0x180000  }
0xd4: {  	[bflag:$0x0] =	sbarrier.arrive $0xFFFF  }
0xd5: {  	_ =	strace $0x90000047  }
0xd6: {  	s0 =	stileid.u32;
	[bflag:$0x2] =	sbarrier.arrive $0xFFFF  }
0xd7: {  	p0 =	sne.s32 s0, $0x0;
	s0 =	rddreg [dreg:$0x2]  }
0xd8: {  	s0 =	sadd.s32 @!p0 $0x100000, s0  }
0xd9: {  	[sflag:s0] =	ssyncadd.tile.s32 @!p0 $0x1;
	_ =	shalt  }
.Lfunc_end2:
_tile_overlayer_lowered:
.L_overlay_start_2:
0xda: {  	(tag) =	ssettag $0x2  }
0xdb: {  	s0 =	rddreg [dreg:$0x0];
	s2 =	stileid.u32  }
0xdc: {  	s1 =	rddreg [dreg:$0x1];
	p0 =	sne.s32 s2, $0x0  }
0xdd: {  	s3 =	rddreg [dreg:$0x2];
	[bflag:$0x3] =	sbarrier.arrive $0xFFFF;
	s2 =	simm.s32 @!p0 $0x1C05  }
0xde: {  	[timem:s3], [sflag:s2] =	dma.local @!p0 [hbm:s0], s1  }
0xdf: {  	s0 =	simm.s32 @!p0 $0x5  }
0xe0: {  	_ =	swait.ge @!p0 [sflag:s0], s1  }
0xe1: {  	s1 =	ssub.s32 @!p0 $0x0, s1;
	[sflag:s0] =	ssyncset.done @!p0 $0x0  }
0xe2: {  	[sflag:s0] =	ssyncadd.s32 @!p0 s1  }
0xe3: {  	[bflag:$0x3] =	sbarrier.arrive $0xFFFF  }
0xe4: {  	_ =	shalt  }

</sc_bundles>
